<compile_context>
chip_gen: v7x
topology: tpu7x:2x2x1
jax: 0.10.2.dev20260603
libtpu: 0.0.44.dev20260713+nightly
codegen_flags: <defaults>
</compile_context>

<pallas_src>
import functools

import jax
import jax.numpy as jnp
from jax import lax
from jax.experimental import pallas as pl
from jax.experimental.pallas import tpu as pltpu
from jax.experimental.pallas import tpu_sc as plsc

B, T, D, V = 16384, 12, 24, 29
NW = 32
ROWS_W = B // NW
DT = D // 8
BT_W = ROWS_W // 128
NSL = ROWS_W // 16


def _ebd_body(x_hbm, lut_hbm, out_hbm, xv, lut_v, buf2, fsem):
    cid = lax.axis_index("c")
    sid = lax.axis_index("s")
    wid = sid * 2 + cid
    rbase = wid * ROWS_W

    pltpu.sync_copy(x_hbm.at[:, pl.ds(rbase, ROWS_W)], xv)
    pltpu.sync_copy(lut_hbm, lut_v)

    def out_at(t):
        return out_hbm.at[t, :, pl.ds(wid * BT_W, BT_W)]

    def t_body(t, carry):
        par = t % 2

        @pl.when(t >= 2)
        def _():
            pltpu.make_async_copy(buf2.at[par], out_at(t), fsem).wait()

        @plsc.parallel_loop(0, NSL, unroll=1)
        def sl_body(i):
            xvec = xv[t, pl.ds(i * 16, 16)]
            xbase = xvec + t * (D * V)
            bt = i // 8
            lo = (i % 8) * 16
            for d in range(D):
                vals = plsc.load_gather(lut_v, [xbase + d * V])
                buf2[par, (d // 8), bt, (d % 8), pl.ds(lo, 16)] = vals

        pltpu.async_copy(buf2.at[par], out_at(t), fsem)
        return carry

    lax.fori_loop(0, T, t_body, 0)
    pltpu.make_async_copy(buf2.at[0], out_at(0), fsem).wait()
    pltpu.make_async_copy(buf2.at[1], out_at(1), fsem).wait()


@jax.jit
def _ebd_gather(xi, lut):
    mesh = plsc.VectorSubcoreMesh(core_axis_name="c", subcore_axis_name="s")
    run = functools.partial(
        pl.kernel,
        out_type=jax.ShapeDtypeStruct((T, DT, B // 128, 8, 128), jnp.float32),
        mesh=mesh,
        scratch_types=[
            pltpu.VMEM((T, ROWS_W), jnp.int32),
            pltpu.VMEM((T * D * V,), jnp.float32),
            pltpu.VMEM((2, DT, BT_W, 8, 128), jnp.float32),
            pltpu.SemaphoreType.DMA,
        ],
        compiler_params=pltpu.CompilerParams(
            use_tc_tiling_on_sc=False, needs_layout_passes=False,
            disable_bounds_checks=True, disable_semaphore_checks=True,
            skip_device_barrier=True),
    )(_ebd_body)
    return run(xi, lut)


def kernel(x, word_ebd, pos_ebd):
    lut = word_ebd.T[None, :, :] + pos_ebd[:, :, None]
    out5 = _ebd_gather(x.T.astype(jnp.int32), lut.reshape(T * D * V))
    return out5.transpose(2, 4, 0, 1, 3).reshape(B, T, D)

# --- scband reference (transcript-rebuilt; emitter-appended) ---
"""Pipeline reference for scband-ebd-24730421690828 (READ-ONLY COPY).

The authoritative reference and input builder live on the scoring server;
editing this copy changes nothing except your own understanding.
"""

import jax, jax.numpy as jnp
import numpy as np


def setup_inputs(seed: int = 0) -> dict:
    key = jax.random.key(seed)
    k1, k2, k3 = jax.random.split(key, 3)
    x = jax.random.randint(k1, (16384, 12), 0, 29, dtype=jnp.int64 if jax.config.jax_enable_x64 else jnp.int32)
    word_ebd = jax.random.normal(k2, (29, 24), dtype=jnp.float32)
    pos_ebd = jax.random.normal(k3, (12, 24), dtype=jnp.float32)
    return {"x": x, "word_ebd": word_ebd, "pos_ebd": pos_ebd}


def reference(x, word_ebd, pos_ebd):
    # word embedding lookup: [B, 12, 24]
    word = jnp.take(word_ebd, x, axis=0)
    # positional embedding: pos_t = arange(12).reshape(1, 12) -> [1, 12, 24]
    pos_t = jnp.arange(0, 12).reshape(1, 12)
    pos = jnp.take(pos_ebd, pos_t, axis=0)
    return word + pos

if __name__ == "__main__":
    import jax
    _d = setup_inputs()
    print(jax.jit(kernel)(*tuple(_d.values())))

</pallas_src>

<mosaic_0001>
#map = affine_map<(d0, d1) -> (0, 0)>
#map1 = affine_map<(d0, d1) -> (0)>
#map2 = affine_map<(d0, d1) -> (0, 0, 0, 0, 0)>
module attributes {stable_mosaic.version = 14 : i64} {
  func.func @_ebd_body(%arg0: i32, %arg1: i32, %arg2: memref<12x16384xi32, #tpu.memory_space<hbm>>, %arg3: memref<8352xf32, #tpu.memory_space<hbm>>, %arg4: memref<12x3x128x8x128xf32, #tpu.memory_space<hbm>>, %arg5: memref<12x512xi32, #tpu.memory_space<vmem>>, %arg6: memref<8352xf32, #tpu.memory_space<vmem>>, %arg7: memref<2x3x4x8x128xf32, #tpu.memory_space<vmem>>, %arg8: memref<!tpu.dma_semaphore, #tpu.memory_space<semaphore_mem>>) attributes {dimension_semantics = [#tpu.dimension_semantics<core_parallel>, #tpu.dimension_semantics<subcore_parallel>], iteration_bounds = array<i64: 2, 16>, scalar_prefetch = 0 : i64, scratch_operands = 4 : i64, tpu.core_type = #tpu.core_type<sc_vector_subcore>, window_params = [{transform_indices = #map}, {transform_indices = #map1}, {transform_indices = #map2}]} {
    %mul3A = arith.constant 2 : i32
    %mul3A_0 = arith.muli %arg1, %mul3A : i32
    %add3A = arith.addi %mul3A_0, %arg0 : i32
    %mul3A_1 = arith.constant 512 : i32
    %mul3A_2 = arith.muli %add3A, %mul3A_1 : i32
    "tpu.region"() ({
      %run_scoped3A = tpu.sem_alloc : memref<!tpu.dma_semaphore, #tpu.memory_space<semaphore_mem>>
      %dma_start3A = arith.constant 0 : i32
      %dma_start3A_59 = tpu.memref_slice %arg2[%dma_start3A, %mul3A_2] : memref<12x16384xi32, #tpu.memory_space<hbm>> -> memref<12x512xi32, #tpu.memory_space<hbm>>
      %dma_start3A_60 = arith.constant 0 : i32
      %dma_start3A_61 = tpu.memref_slice %arg2[%dma_start3A_60, %mul3A_2] : memref<12x16384xi32, #tpu.memory_space<hbm>> -> memref<12x512xi32, #tpu.memory_space<hbm>>
      tpu.enqueue_dma source(%dma_start3A_61 : memref<12x512xi32, #tpu.memory_space<hbm>>) target(%arg5 : memref<12x512xi32, #tpu.memory_space<vmem>>) target_semaphore(%run_scoped3A : memref<!tpu.dma_semaphore, #tpu.memory_space<semaphore_mem>>)
      %dma_wait3A_62 = arith.constant 0 : i32
      %dma_wait3A_63 = tpu.memref_slice %arg2[%dma_wait3A_62, %mul3A_2] : memref<12x16384xi32, #tpu.memory_space<hbm>> -> memref<12x512xi32, #tpu.memory_space<hbm>>
      %dma_wait3A_64 = arith.constant 0 : i32
      %dma_wait3A_65 = tpu.memref_slice %arg2[%dma_wait3A_64, %mul3A_2] : memref<12x16384xi32, #tpu.memory_space<hbm>> -> memref<12x512xi32, #tpu.memory_space<hbm>>
      tpu.wait_dma2 semaphore(%run_scoped3A : memref<!tpu.dma_semaphore, #tpu.memory_space<semaphore_mem>>) src(%dma_wait3A_65 : memref<12x512xi32, #tpu.memory_space<hbm>>) dst(%arg5 : memref<12x512xi32, #tpu.memory_space<vmem>>)
      tpu.yield
    }) : () -> ()
    "tpu.region"() ({
      %run_scoped3A = tpu.sem_alloc : memref<!tpu.dma_semaphore, #tpu.memory_space<semaphore_mem>>
      tpu.enqueue_dma source(%arg3 : memref<8352xf32, #tpu.memory_space<hbm>>) target(%arg6 : memref<8352xf32, #tpu.memory_space<vmem>>) target_semaphore(%run_scoped3A : memref<!tpu.dma_semaphore, #tpu.memory_space<semaphore_mem>>)
      tpu.wait_dma2 semaphore(%run_scoped3A : memref<!tpu.dma_semaphore, #tpu.memory_space<semaphore_mem>>) src(%arg3 : memref<8352xf32, #tpu.memory_space<hbm>>) dst(%arg6 : memref<8352xf32, #tpu.memory_space<vmem>>)
      tpu.yield
    }) : () -> ()
    %scan3A = arith.constant 0 : i32
    %scan3A_3 = arith.constant 0 : i32
    %scan3A_4 = arith.constant 12 : i32
    %scan3A_5 = arith.addi %scan3A_3, %scan3A_4 : i32
    %scan3A_6 = arith.constant 1 : i32
    scf.for %scan3A_59 = %scan3A_3 to %scan3A_5 step %scan3A_6  : i32 {
      %jit3A = arith.constant 2 : i32
      %eq3A = arith.constant 0 : i32
      %eq3A_60 = arith.cmpi eq, %jit3A, %eq3A : i32
      %jit3A_61 = arith.constant 1 : i32
      %select_n3A = arith.select %eq3A_60, %jit3A_61, %jit3A : i32
      %rem3A = arith.remsi %scan3A_59, %select_n3A : i32
      %ne3A = arith.constant 0 : i32
      %ne3A_62 = arith.cmpi ne, %rem3A, %ne3A : i32
      %lt3A = arith.constant 0 : i32
      %lt3A_63 = arith.cmpi slt, %rem3A, %lt3A : i32
      %lt3A_64 = arith.constant 0 : i32
      %lt3A_65 = arith.cmpi slt, %select_n3A, %lt3A_64 : i32
      %ne3A_66 = arith.xori %lt3A_63, %lt3A_65 : i1
      %and3A = arith.andi %ne3A_66, %ne3A_62 : i1
      %add3A_67 = arith.addi %rem3A, %select_n3A : i32
      %select_n3A_68 = arith.select %and3A, %add3A_67, %rem3A : i32
      %ge3A = arith.constant 2 : i32
      %ge3A_69 = arith.cmpi sge, %scan3A_59, %ge3A : i32
      %convert_element_type3A = arith.extui %ge3A_69 : i1 to i32
      %cond3A = arith.constant 0 : i32
      %cond3A_70 = arith.cmpi ne, %convert_element_type3A, %cond3A : i32
      scf.if %cond3A_70 {
        %mul3A_96 = arith.constant 4 : i32
        %mul3A_97 = arith.muli %add3A, %mul3A_96 : i32
        %dma_wait3A_98 = arith.constant 0 : i32
        %dma_wait3A_99 = arith.constant 0 : i32
        %dma_wait3A_100 = arith.constant 0 : i32
        %dma_wait3A_101 = arith.constant 0 : i32
        %dma_wait3A_102 = tpu.memref_slice %arg7[%select_n3A_68, %dma_wait3A_98, %dma_wait3A_99, %dma_wait3A_100, %dma_wait3A_101] : memref<2x3x4x8x128xf32, #tpu.memory_space<vmem>> -> memref<1x3x4x8x128xf32, #tpu.memory_space<vmem>>
        %dma_wait3A_103 = tpu.memref_squeeze %dma_wait3A_102 : memref<1x3x4x8x128xf32, #tpu.memory_space<vmem>> -> memref<3x4x8x128xf32, #tpu.memory_space<vmem>>
        %dma_wait3A_104 = arith.constant 0 : i32
        %dma_wait3A_105 = arith.constant 0 : i32
        %dma_wait3A_106 = arith.constant 0 : i32
        %dma_wait3A_107 = tpu.memref_slice %arg4[%scan3A_59, %dma_wait3A_104, %mul3A_97, %dma_wait3A_105, %dma_wait3A_106] : memref<12x3x128x8x128xf32, #tpu.memory_space<hbm>> -> memref<1x3x4x8x128xf32, #tpu.memory_space<hbm>>
        %dma_wait3A_108 = tpu.memref_squeeze %dma_wait3A_107 : memref<1x3x4x8x128xf32, #tpu.memory_space<hbm>> -> memref<3x4x8x128xf32, #tpu.memory_space<hbm>>
        %dma_wait3A_109 = arith.constant 0 : i32
        %dma_wait3A_110 = arith.constant 0 : i32
        %dma_wait3A_111 = arith.constant 0 : i32
        %dma_wait3A_112 = tpu.memref_slice %arg4[%scan3A_59, %dma_wait3A_109, %mul3A_97, %dma_wait3A_110, %dma_wait3A_111] : memref<12x3x128x8x128xf32, #tpu.memory_space<hbm>> -> memref<1x3x4x8x128xf32, #tpu.memory_space<hbm>>
        %dma_wait3A_113 = tpu.memref_squeeze %dma_wait3A_112 : memref<1x3x4x8x128xf32, #tpu.memory_space<hbm>> -> memref<3x4x8x128xf32, #tpu.memory_space<hbm>>
        %dma_wait3A_114 = arith.constant 0 : i32
        %dma_wait3A_115 = arith.constant 0 : i32
        %dma_wait3A_116 = arith.constant 0 : i32
        %dma_wait3A_117 = arith.constant 0 : i32
        %dma_wait3A_118 = tpu.memref_slice %arg7[%select_n3A_68, %dma_wait3A_114, %dma_wait3A_115, %dma_wait3A_116, %dma_wait3A_117] : memref<2x3x4x8x128xf32, #tpu.memory_space<vmem>> -> memref<1x3x4x8x128xf32, #tpu.memory_space<vmem>>
        %dma_wait3A_119 = tpu.memref_squeeze %dma_wait3A_118 : memref<1x3x4x8x128xf32, #tpu.memory_space<vmem>> -> memref<3x4x8x128xf32, #tpu.memory_space<vmem>>
        tpu.wait_dma2 semaphore(%arg8 : memref<!tpu.dma_semaphore, #tpu.memory_space<semaphore_mem>>) src(%dma_wait3A_119 : memref<3x4x8x128xf32, #tpu.memory_space<vmem>>) dst(%dma_wait3A_113 : memref<3x4x8x128xf32, #tpu.memory_space<hbm>>)
      } else {
      }
      %parallel_loop3A = arith.constant 0 : i32
      %parallel_loop3A_71 = arith.constant 32 : i32
      %parallel_loop3A_72 = arith.constant 1 : i32
      scf.for %parallel_loop3A_96 = %parallel_loop3A to %parallel_loop3A_71 step %parallel_loop3A_72  : i32 {
        %parallel_loop3A_97 = arith.constant 16 : i32
        %parallel_loop3A_98 = arith.muli %parallel_loop3A_96, %parallel_loop3A_97 : i32
        %parallel_loop3A_99 = arith.index_cast %scan3A_59 : i32 to index
        %parallel_loop3A_100 = arith.index_cast %parallel_loop3A_98 : i32 to index
        %parallel_loop3A_101 = tpu.vector_load %arg5[%parallel_loop3A_99, %parallel_loop3A_100] {strides = array<i32>} : memref<12x512xi32, #tpu.memory_space<vmem>>, vector<16xi32>,
        %parallel_loop3A_102 = arith.constant 696 : i32
        %parallel_loop3A_103 = arith.muli %scan3A_59, %parallel_loop3A_102 : i32
        %parallel_loop3A_104 = vector.broadcast %parallel_loop3A_103 : i32 to vector<16xi32>
        %parallel_loop3A_105 = arith.addi %parallel_loop3A_101, %parallel_loop3A_104 : vector<16xi32>
        %parallel_loop3A_106 = arith.constant 8 : i32
        %parallel_loop3A_107 = arith.divsi %parallel_loop3A_96, %parallel_loop3A_106 : i32
        %parallel_loop3A_108 = arith.constant 0 : i32
        %parallel_loop3A_109 = arith.cmpi sgt, %parallel_loop3A_96, %parallel_loop3A_108 : i32
        %parallel_loop3A_110 = arith.extui %parallel_loop3A_109 : i1 to i32
        %parallel_loop3A_111 = arith.constant 0 : i32
        %parallel_loop3A_112 = arith.cmpi slt, %parallel_loop3A_96, %parallel_loop3A_111 : i32
        %parallel_loop3A_113 = arith.extui %parallel_loop3A_112 : i1 to i32
        %parallel_loop3A_114 = arith.subi %parallel_loop3A_110, %parallel_loop3A_113 : i32
        %parallel_loop3A_115 = arith.constant 0 : i32
        %parallel_loop3A_116 = arith.cmpi sgt, %parallel_loop3A_106, %parallel_loop3A_115 : i32
        %parallel_loop3A_117 = arith.extui %parallel_loop3A_116 : i1 to i32
        %parallel_loop3A_118 = arith.constant 0 : i32
        %parallel_loop3A_119 = arith.cmpi slt, %parallel_loop3A_106, %parallel_loop3A_118 : i32
        %parallel_loop3A_120 = arith.extui %parallel_loop3A_119 : i1 to i32
        %parallel_loop3A_121 = arith.subi %parallel_loop3A_117, %parallel_loop3A_120 : i32
        %parallel_loop3A_122 = arith.cmpi ne, %parallel_loop3A_114, %parallel_loop3A_121 : i32
        %parallel_loop3A_123 = arith.remsi %parallel_loop3A_96, %parallel_loop3A_106 : i32
        %parallel_loop3A_124 = arith.constant 0 : i32
        %parallel_loop3A_125 = arith.cmpi ne, %parallel_loop3A_123, %parallel_loop3A_124 : i32
        %parallel_loop3A_126 = arith.andi %parallel_loop3A_122, %parallel_loop3A_125 : i1
        %parallel_loop3A_127 = arith.constant 1 : i32
        %parallel_loop3A_128 = arith.subi %parallel_loop3A_107, %parallel_loop3A_127 : i32
        %parallel_loop3A_129 = arith.select %parallel_loop3A_126, %parallel_loop3A_128, %parallel_loop3A_107 : i32
        %parallel_loop3A_130 = arith.constant 8 : i32
        %parallel_loop3A_131 = arith.constant 0 : i32
        %parallel_loop3A_132 = arith.cmpi eq, %parallel_loop3A_130, %parallel_loop3A_131 : i32
        %parallel_loop3A_133 = arith.constant 1 : i32
        %parallel_loop3A_134 = arith.select %parallel_loop3A_132, %parallel_loop3A_133, %parallel_loop3A_130 : i32
        %parallel_loop3A_135 = arith.remsi %parallel_loop3A_96, %parallel_loop3A_134 : i32
        %parallel_loop3A_136 = arith.constant 0 : i32
        %parallel_loop3A_137 = arith.cmpi ne, %parallel_loop3A_135, %parallel_loop3A_136 : i32
        %parallel_loop3A_138 = arith.constant 0 : i32
        %parallel_loop3A_139 = arith.cmpi slt, %parallel_loop3A_135, %parallel_loop3A_138 : i32
        %parallel_loop3A_140 = arith.constant 0 : i32
        %parallel_loop3A_141 = arith.cmpi slt, %parallel_loop3A_134, %parallel_loop3A_140 : i32
        %parallel_loop3A_142 = arith.xori %parallel_loop3A_139, %parallel_loop3A_141 : i1
        %parallel_loop3A_143 = arith.andi %parallel_loop3A_142, %parallel_loop3A_137 : i1
        %parallel_loop3A_144 = arith.addi %parallel_loop3A_135, %parallel_loop3A_134 : i32
        %parallel_loop3A_145 = arith.select %parallel_loop3A_143, %parallel_loop3A_144, %parallel_loop3A_135 : i32
        %parallel_loop3A_146 = arith.constant 16 : i32
        %parallel_loop3A_147 = arith.muli %parallel_loop3A_145, %parallel_loop3A_146 : i32
        %parallel_loop3A_148 = arith.constant 0 : i32
        %parallel_loop3A_149 = vector.broadcast %parallel_loop3A_148 : i32 to vector<16xi32>
        %parallel_loop3A_150 = arith.addi %parallel_loop3A_105, %parallel_loop3A_149 : vector<16xi32>
        %parallel_loop3A_151 = tpu.vector_load_idx %arg6[%parallel_loop3A_150] : memref<8352xf32, #tpu.memory_space<vmem>>[vector<16xi32>], vector<16xf32>,
        %parallel_loop3A_152 = arith.constant 0 : i32
        %parallel_loop3A_153 = arith.constant 0 : i32
        %parallel_loop3A_154 = arith.index_cast %select_n3A_68 : i32 to index
        %parallel_loop3A_155 = arith.index_cast %parallel_loop3A_152 : i32 to index
        %parallel_loop3A_156 = arith.index_cast %parallel_loop3A_129 : i32 to index
        %parallel_loop3A_157 = arith.index_cast %parallel_loop3A_153 : i32 to index
        %parallel_loop3A_158 = arith.index_cast %parallel_loop3A_147 : i32 to index
        %parallel_loop3A_159 = tpu.vector_load %arg7[%parallel_loop3A_154, %parallel_loop3A_155, %parallel_loop3A_156, %parallel_loop3A_157, %parallel_loop3A_158] {strides = array<i32>} : memref<2x3x4x8x128xf32, #tpu.memory_space<vmem>>, vector<16xf32>,
        tpu.vector_store %arg7[%parallel_loop3A_154, %parallel_loop3A_155, %parallel_loop3A_156, %parallel_loop3A_157, %parallel_loop3A_158], %parallel_loop3A_151 {strides = array<i32>} : memref<2x3x4x8x128xf32, #tpu.memory_space<vmem>>, vector<16xf32>,
        %parallel_loop3A_160 = arith.constant 29 : i32
        %parallel_loop3A_161 = vector.broadcast %parallel_loop3A_160 : i32 to vector<16xi32>
        %parallel_loop3A_162 = arith.addi %parallel_loop3A_105, %parallel_loop3A_161 : vector<16xi32>
        %parallel_loop3A_163 = tpu.vector_load_idx %arg6[%parallel_loop3A_162] : memref<8352xf32, #tpu.memory_space<vmem>>[vector<16xi32>], vector<16xf32>,
        %parallel_loop3A_164 = arith.constant 0 : i32
        %parallel_loop3A_165 = arith.constant 1 : i32
        %parallel_loop3A_166 = arith.index_cast %select_n3A_68 : i32 to index
        %parallel_loop3A_167 = arith.index_cast %parallel_loop3A_164 : i32 to index
        %parallel_loop3A_168 = arith.index_cast %parallel_loop3A_129 : i32 to index
        %parallel_loop3A_169 = arith.index_cast %parallel_loop3A_165 : i32 to index
        %parallel_loop3A_170 = arith.index_cast %parallel_loop3A_147 : i32 to index
        %parallel_loop3A_171 = tpu.vector_load %arg7[%parallel_loop3A_166, %parallel_loop3A_167, %parallel_loop3A_168, %parallel_loop3A_169, %parallel_loop3A_170] {strides = array<i32>} : memref<2x3x4x8x128xf32, #tpu.memory_space<vmem>>, vector<16xf32>,
        tpu.vector_store %arg7[%parallel_loop3A_166, %parallel_loop3A_167, %parallel_loop3A_168, %parallel_loop3A_169, %parallel_loop3A_170], %parallel_loop3A_163 {strides = array<i32>} : memref<2x3x4x8x128xf32, #tpu.memory_space<vmem>>, vector<16xf32>,
        %parallel_loop3A_172 = arith.constant 58 : i32
        %parallel_loop3A_173 = vector.broadcast %parallel_loop3A_172 : i32 to vector<16xi32>
        %parallel_loop3A_174 = arith.addi %parallel_loop3A_105, %parallel_loop3A_173 : vector<16xi32>
        %parallel_loop3A_175 = tpu.vector_load_idx %arg6[%parallel_loop3A_174] : memref<8352xf32, #tpu.memory_space<vmem>>[vector<16xi32>], vector<16xf32>,
        %parallel_loop3A_176 = arith.constant 0 : i32
        %parallel_loop3A_177 = arith.constant 2 : i32
        %parallel_loop3A_178 = arith.index_cast %select_n3A_68 : i32 to index
        %parallel_loop3A_179 = arith.index_cast %parallel_loop3A_176 : i32 to index
        %parallel_loop3A_180 = arith.index_cast %parallel_loop3A_129 : i32 to index
        %parallel_loop3A_181 = arith.index_cast %parallel_loop3A_177 : i32 to index
        %parallel_loop3A_182 = arith.index_cast %parallel_loop3A_147 : i32 to index
        %parallel_loop3A_183 = tpu.vector_load %arg7[%parallel_loop3A_178, %parallel_loop3A_179, %parallel_loop3A_180, %parallel_loop3A_181, %parallel_loop3A_182] {strides = array<i32>} : memref<2x3x4x8x128xf32, #tpu.memory_space<vmem>>, vector<16xf32>,
        tpu.vector_store %arg7[%parallel_loop3A_178, %parallel_loop3A_179, %parallel_loop3A_180, %parallel_loop3A_181, %parallel_loop3A_182], %parallel_loop3A_175 {strides = array<i32>} : memref<2x3x4x8x128xf32, #tpu.memory_space<vmem>>, vector<16xf32>,
        %parallel_loop3A_184 = arith.constant 87 : i32
        %parallel_loop3A_185 = vector.broadcast %parallel_loop3A_184 : i32 to vector<16xi32>
        %parallel_loop3A_186 = arith.addi %parallel_loop3A_105, %parallel_loop3A_185 : vector<16xi32>
        %parallel_loop3A_187 = tpu.vector_load_idx %arg6[%parallel_loop3A_186] : memref<8352xf32, #tpu.memory_space<vmem>>[vector<16xi32>], vector<16xf32>,
        %parallel_loop3A_188 = arith.constant 0 : i32
        %parallel_loop3A_189 = arith.constant 3 : i32
        %parallel_loop3A_190 = arith.index_cast %select_n3A_68 : i32 to index
        %parallel_loop3A_191 = arith.index_cast %parallel_loop3A_188 : i32 to index
        %parallel_loop3A_192 = arith.index_cast %parallel_loop3A_129 : i32 to index
        %parallel_loop3A_193 = arith.index_cast %parallel_loop3A_189 : i32 to index
        %parallel_loop3A_194 = arith.index_cast %parallel_loop3A_147 : i32 to index
        %parallel_loop3A_195 = tpu.vector_load %arg7[%parallel_loop3A_190, %parallel_loop3A_191, %parallel_loop3A_192, %parallel_loop3A_193, %parallel_loop3A_194] {strides = array<i32>} : memref<2x3x4x8x128xf32, #tpu.memory_space<vmem>>, vector<16xf32>,
        tpu.vector_store %arg7[%parallel_loop3A_190, %parallel_loop3A_191, %parallel_loop3A_192, %parallel_loop3A_193, %parallel_loop3A_194], %parallel_loop3A_187 {strides = array<i32>} : memref<2x3x4x8x128xf32, #tpu.memory_space<vmem>>, vector<16xf32>,
        %parallel_loop3A_196 = arith.constant 116 : i32
        %parallel_loop3A_197 = vector.broadcast %parallel_loop3A_196 : i32 to vector<16xi32>
        %parallel_loop3A_198 = arith.addi %parallel_loop3A_105, %parallel_loop3A_197 : vector<16xi32>
        %parallel_loop3A_199 = tpu.vector_load_idx %arg6[%parallel_loop3A_198] : memref<8352xf32, #tpu.memory_space<vmem>>[vector<16xi32>], vector<16xf32>,
        %parallel_loop3A_200 = arith.constant 0 : i32
        %parallel_loop3A_201 = arith.constant 4 : i32
        %parallel_loop3A_202 = arith.index_cast %select_n3A_68 : i32 to index
        %parallel_loop3A_203 = arith.index_cast %parallel_loop3A_200 : i32 to index
        %parallel_loop3A_204 = arith.index_cast %parallel_loop3A_129 : i32 to index
        %parallel_loop3A_205 = arith.index_cast %parallel_loop3A_201 : i32 to index
        %parallel_loop3A_206 = arith.index_cast %parallel_loop3A_147 : i32 to index
        %parallel_loop3A_207 = tpu.vector_load %arg7[%parallel_loop3A_202, %parallel_loop3A_203, %parallel_loop3A_204, %parallel_loop3A_205, %parallel_loop3A_206] {strides = array<i32>} : memref<2x3x4x8x128xf32, #tpu.memory_space<vmem>>, vector<16xf32>,
        tpu.vector_store %arg7[%parallel_loop3A_202, %parallel_loop3A_203, %parallel_loop3A_204, %parallel_loop3A_205, %parallel_loop3A_206], %parallel_loop3A_199 {strides = array<i32>} : memref<2x3x4x8x128xf32, #tpu.memory_space<vmem>>, vector<16xf32>,
        %parallel_loop3A_208 = arith.constant 145 : i32
        %parallel_loop3A_209 = vector.broadcast %parallel_loop3A_208 : i32 to vector<16xi32>
        %parallel_loop3A_210 = arith.addi %parallel_loop3A_105, %parallel_loop3A_209 : vector<16xi32>
        %parallel_loop3A_211 = tpu.vector_load_idx %arg6[%parallel_loop3A_210] : memref<8352xf32, #tpu.memory_space<vmem>>[vector<16xi32>], vector<16xf32>,
        %parallel_loop3A_212 = arith.constant 0 : i32
        %parallel_loop3A_213 = arith.constant 5 : i32
        %parallel_loop3A_214 = arith.index_cast %select_n3A_68 : i32 to index
        %parallel_loop3A_215 = arith.index_cast %parallel_loop3A_212 : i32 to index
        %parallel_loop3A_216 = arith.index_cast %parallel_loop3A_129 : i32 to index
        %parallel_loop3A_217 = arith.index_cast %parallel_loop3A_213 : i32 to index
        %parallel_loop3A_218 = arith.index_cast %parallel_loop3A_147 : i32 to index
        %parallel_loop3A_219 = tpu.vector_load %arg7[%parallel_loop3A_214, %parallel_loop3A_215, %parallel_loop3A_216, %parallel_loop3A_217, %parallel_loop3A_218] {strides = array<i32>} : memref<2x3x4x8x128xf32, #tpu.memory_space<vmem>>, vector<16xf32>,
        tpu.vector_store %arg7[%parallel_loop3A_214, %parallel_loop3A_215, %parallel_loop3A_216, %parallel_loop3A_217, %parallel_loop3A_218], %parallel_loop3A_211 {strides = array<i32>} : memref<2x3x4x8x128xf32, #tpu.memory_space<vmem>>, vector<16xf32>,
        %parallel_loop3A_220 = arith.constant 174 : i32
        %parallel_loop3A_221 = vector.broadcast %parallel_loop3A_220 : i32 to vector<16xi32>
        %parallel_loop3A_222 = arith.addi %parallel_loop3A_105, %parallel_loop3A_221 : vector<16xi32>
        %parallel_loop3A_223 = tpu.vector_load_idx %arg6[%parallel_loop3A_222] : memref<8352xf32, #tpu.memory_space<vmem>>[vector<16xi32>], vector<16xf32>,
        %parallel_loop3A_224 = arith.constant 0 : i32
        %parallel_loop3A_225 = arith.constant 6 : i32
        %parallel_loop3A_226 = arith.index_cast %select_n3A_68 : i32 to index
        %parallel_loop3A_227 = arith.index_cast %parallel_loop3A_224 : i32 to index
        %parallel_loop3A_228 = arith.index_cast %parallel_loop3A_129 : i32 to index
        %parallel_loop3A_229 = arith.index_cast %parallel_loop3A_225 : i32 to index
        %parallel_loop3A_230 = arith.index_cast %parallel_loop3A_147 : i32 to index
        %parallel_loop3A_231 = tpu.vector_load %arg7[%parallel_loop3A_226, %parallel_loop3A_227, %parallel_loop3A_228, %parallel_loop3A_229, %parallel_loop3A_230] {strides = array<i32>} : memref<2x3x4x8x128xf32, #tpu.memory_space<vmem>>, vector<16xf32>,
        tpu.vector_store %arg7[%parallel_loop3A_226, %parallel_loop3A_227, %parallel_loop3A_228, %parallel_loop3A_229, %parallel_loop3A_230], %parallel_loop3A_223 {strides = array<i32>} : memref<2x3x4x8x128xf32, #tpu.memory_space<vmem>>, vector<16xf32>,
        %parallel_loop3A_232 = arith.constant 203 : i32
        %parallel_loop3A_233 = vector.broadcast %parallel_loop3A_232 : i32 to vector<16xi32>
        %parallel_loop3A_234 = arith.addi %parallel_loop3A_105, %parallel_loop3A_233 : vector<16xi32>
        %parallel_loop3A_235 = tpu.vector_load_idx %arg6[%parallel_loop3A_234] : memref<8352xf32, #tpu.memory_space<vmem>>[vector<16xi32>], vector<16xf32>,
        %parallel_loop3A_236 = arith.constant 0 : i32
        %parallel_loop3A_237 = arith.constant 7 : i32
        %parallel_loop3A_238 = arith.index_cast %select_n3A_68 : i32 to index
        %parallel_loop3A_239 = arith.index_cast %parallel_loop3A_236 : i32 to index
        %parallel_loop3A_240 = arith.index_cast %parallel_loop3A_129 : i32 to index
        %parallel_loop3A_241 = arith.index_cast %parallel_loop3A_237 : i32 to index
        %parallel_loop3A_242 = arith.index_cast %parallel_loop3A_147 : i32 to index
        %parallel_loop3A_243 = tpu.vector_load %arg7[%parallel_loop3A_238, %parallel_loop3A_239, %parallel_loop3A_240, %parallel_loop3A_241, %parallel_loop3A_242] {strides = array<i32>} : memref<2x3x4x8x128xf32, #tpu.memory_space<vmem>>, vector<16xf32>,
        tpu.vector_store %arg7[%parallel_loop3A_238, %parallel_loop3A_239, %parallel_loop3A_240, %parallel_loop3A_241, %parallel_loop3A_242], %parallel_loop3A_235 {strides = array<i32>} : memref<2x3x4x8x128xf32, #tpu.memory_space<vmem>>, vector<16xf32>,
        %parallel_loop3A_244 = arith.constant 232 : i32
        %parallel_loop3A_245 = vector.broadcast %parallel_loop3A_244 : i32 to vector<16xi32>
        %parallel_loop3A_246 = arith.addi %parallel_loop3A_105, %parallel_loop3A_245 : vector<16xi32>
        %parallel_loop3A_247 = tpu.vector_load_idx %arg6[%parallel_loop3A_246] : memref<8352xf32, #tpu.memory_space<vmem>>[vector<16xi32>], vector<16xf32>,
        %parallel_loop3A_248 = arith.constant 1 : i32
        %parallel_loop3A_249 = arith.constant 0 : i32
        %parallel_loop3A_250 = arith.index_cast %select_n3A_68 : i32 to index
        %parallel_loop3A_251 = arith.index_cast %parallel_loop3A_248 : i32 to index
        %parallel_loop3A_252 = arith.index_cast %parallel_loop3A_129 : i32 to index
        %parallel_loop3A_253 = arith.index_cast %parallel_loop3A_249 : i32 to index
        %parallel_loop3A_254 = arith.index_cast %parallel_loop3A_147 : i32 to index
        %parallel_loop3A_255 = tpu.vector_load %arg7[%parallel_loop3A_250, %parallel_loop3A_251, %parallel_loop3A_252, %parallel_loop3A_253, %parallel_loop3A_254] {strides = array<i32>} : memref<2x3x4x8x128xf32, #tpu.memory_space<vmem>>, vector<16xf32>,
        tpu.vector_store %arg7[%parallel_loop3A_250, %parallel_loop3A_251, %parallel_loop3A_252, %parallel_loop3A_253, %parallel_loop3A_254], %parallel_loop3A_247 {strides = array<i32>} : memref<2x3x4x8x128xf32, #tpu.memory_space<vmem>>, vector<16xf32>,
        %parallel_loop3A_256 = arith.constant 261 : i32
        %parallel_loop3A_257 = vector.broadcast %parallel_loop3A_256 : i32 to vector<16xi32>
        %parallel_loop3A_258 = arith.addi %parallel_loop3A_105, %parallel_loop3A_257 : vector<16xi32>
        %parallel_loop3A_259 = tpu.vector_load_idx %arg6[%parallel_loop3A_258] : memref<8352xf32, #tpu.memory_space<vmem>>[vector<16xi32>], vector<16xf32>,
        %parallel_loop3A_260 = arith.constant 1 : i32
        %parallel_loop3A_261 = arith.constant 1 : i32
        %parallel_loop3A_262 = arith.index_cast %select_n3A_68 : i32 to index
        %parallel_loop3A_263 = arith.index_cast %parallel_loop3A_260 : i32 to index
        %parallel_loop3A_264 = arith.index_cast %parallel_loop3A_129 : i32 to index
        %parallel_loop3A_265 = arith.index_cast %parallel_loop3A_261 : i32 to index
        %parallel_loop3A_266 = arith.index_cast %parallel_loop3A_147 : i32 to index
        %parallel_loop3A_267 = tpu.vector_load %arg7[%parallel_loop3A_262, %parallel_loop3A_263, %parallel_loop3A_264, %parallel_loop3A_265, %parallel_loop3A_266] {strides = array<i32>} : memref<2x3x4x8x128xf32, #tpu.memory_space<vmem>>, vector<16xf32>,
        tpu.vector_store %arg7[%parallel_loop3A_262, %parallel_loop3A_263, %parallel_loop3A_264, %parallel_loop3A_265, %parallel_loop3A_266], %parallel_loop3A_259 {strides = array<i32>} : memref<2x3x4x8x128xf32, #tpu.memory_space<vmem>>, vector<16xf32>,
        %parallel_loop3A_268 = arith.constant 290 : i32
        %parallel_loop3A_269 = vector.broadcast %parallel_loop3A_268 : i32 to vector<16xi32>
        %parallel_loop3A_270 = arith.addi %parallel_loop3A_105, %parallel_loop3A_269 : vector<16xi32>
        %parallel_loop3A_271 = tpu.vector_load_idx %arg6[%parallel_loop3A_270] : memref<8352xf32, #tpu.memory_space<vmem>>[vector<16xi32>], vector<16xf32>,
        %parallel_loop3A_272 = arith.constant 1 : i32
        %parallel_loop3A_273 = arith.constant 2 : i32
        %parallel_loop3A_274 = arith.index_cast %select_n3A_68 : i32 to index
        %parallel_loop3A_275 = arith.index_cast %parallel_loop3A_272 : i32 to index
        %parallel_loop3A_276 = arith.index_cast %parallel_loop3A_129 : i32 to index
        %parallel_loop3A_277 = arith.index_cast %parallel_loop3A_273 : i32 to index
        %parallel_loop3A_278 = arith.index_cast %parallel_loop3A_147 : i32 to index
        %parallel_loop3A_279 = tpu.vector_load %arg7[%parallel_loop3A_274, %parallel_loop3A_275, %parallel_loop3A_276, %parallel_loop3A_277, %parallel_loop3A_278] {strides = array<i32>} : memref<2x3x4x8x128xf32, #tpu.memory_space<vmem>>, vector<16xf32>,
        tpu.vector_store %arg7[%parallel_loop3A_274, %parallel_loop3A_275, %parallel_loop3A_276, %parallel_loop3A_277, %parallel_loop3A_278], %parallel_loop3A_271 {strides = array<i32>} : memref<2x3x4x8x128xf32, #tpu.memory_space<vmem>>, vector<16xf32>,
        %parallel_loop3A_280 = arith.constant 319 : i32
        %parallel_loop3A_281 = vector.broadcast %parallel_loop3A_280 : i32 to vector<16xi32>
        %parallel_loop3A_282 = arith.addi %parallel_loop3A_105, %parallel_loop3A_281 : vector<16xi32>
        %parallel_loop3A_283 = tpu.vector_load_idx %arg6[%parallel_loop3A_282] : memref<8352xf32, #tpu.memory_space<vmem>>[vector<16xi32>], vector<16xf32>,
        %parallel_loop3A_284 = arith.constant 1 : i32
        %parallel_loop3A_285 = arith.constant 3 : i32
        %parallel_loop3A_286 = arith.index_cast %select_n3A_68 : i32 to index
        %parallel_loop3A_287 = arith.index_cast %parallel_loop3A_284 : i32 to index
        %parallel_loop3A_288 = arith.index_cast %parallel_loop3A_129 : i32 to index
        %parallel_loop3A_289 = arith.index_cast %parallel_loop3A_285 : i32 to index
        %parallel_loop3A_290 = arith.index_cast %parallel_loop3A_147 : i32 to index
        %parallel_loop3A_291 = tpu.vector_load %arg7[%parallel_loop3A_286, %parallel_loop3A_287, %parallel_loop3A_288, %parallel_loop3A_289, %parallel_loop3A_290] {strides = array<i32>} : memref<2x3x4x8x128xf32, #tpu.memory_space<vmem>>, vector<16xf32>,
        tpu.vector_store %arg7[%parallel_loop3A_286, %parallel_loop3A_287, %parallel_loop3A_288, %parallel_loop3A_289, %parallel_loop3A_290], %parallel_loop3A_283 {strides = array<i32>} : memref<2x3x4x8x128xf32, #tpu.memory_space<vmem>>, vector<16xf32>,
        %parallel_loop3A_292 = arith.constant 348 : i32
        %parallel_loop3A_293 = vector.broadcast %parallel_loop3A_292 : i32 to vector<16xi32>
        %parallel_loop3A_294 = arith.addi %parallel_loop3A_105, %parallel_loop3A_293 : vector<16xi32>
        %parallel_loop3A_295 = tpu.vector_load_idx %arg6[%parallel_loop3A_294] : memref<8352xf32, #tpu.memory_space<vmem>>[vector<16xi32>], vector<16xf32>,
        %parallel_loop3A_296 = arith.constant 1 : i32
        %parallel_loop3A_297 = arith.constant 4 : i32
        %parallel_loop3A_298 = arith.index_cast %select_n3A_68 : i32 to index
        %parallel_loop3A_299 = arith.index_cast %parallel_loop3A_296 : i32 to index
        %parallel_loop3A_300 = arith.index_cast %parallel_loop3A_129 : i32 to index
        %parallel_loop3A_301 = arith.index_cast %parallel_loop3A_297 : i32 to index
        %parallel_loop3A_302 = arith.index_cast %parallel_loop3A_147 : i32 to index
        %parallel_loop3A_303 = tpu.vector_load %arg7[%parallel_loop3A_298, %parallel_loop3A_299, %parallel_loop3A_300, %parallel_loop3A_301, %parallel_loop3A_302] {strides = array<i32>} : memref<2x3x4x8x128xf32, #tpu.memory_space<vmem>>, vector<16xf32>,
        tpu.vector_store %arg7[%parallel_loop3A_298, %parallel_loop3A_299, %parallel_loop3A_300, %parallel_loop3A_301, %parallel_loop3A_302], %parallel_loop3A_295 {strides = array<i32>} : memref<2x3x4x8x128xf32, #tpu.memory_space<vmem>>, vector<16xf32>,
        %parallel_loop3A_304 = arith.constant 377 : i32
        %parallel_loop3A_305 = vector.broadcast %parallel_loop3A_304 : i32 to vector<16xi32>
        %parallel_loop3A_306 = arith.addi %parallel_loop3A_105, %parallel_loop3A_305 : vector<16xi32>
        %parallel_loop3A_307 = tpu.vector_load_idx %arg6[%parallel_loop3A_306] : memref<8352xf32, #tpu.memory_space<vmem>>[vector<16xi32>], vector<16xf32>,
        %parallel_loop3A_308 = arith.constant 1 : i32
        %parallel_loop3A_309 = arith.constant 5 : i32
        %parallel_loop3A_310 = arith.index_cast %select_n3A_68 : i32 to index
        %parallel_loop3A_311 = arith.index_cast %parallel_loop3A_308 : i32 to index
        %parallel_loop3A_312 = arith.index_cast %parallel_loop3A_129 : i32 to index
        %parallel_loop3A_313 = arith.index_cast %parallel_loop3A_309 : i32 to index
        %parallel_loop3A_314 = arith.index_cast %parallel_loop3A_147 : i32 to index
        %parallel_loop3A_315 = tpu.vector_load %arg7[%parallel_loop3A_310, %parallel_loop3A_311, %parallel_loop3A_312, %parallel_loop3A_313, %parallel_loop3A_314] {strides = array<i32>} : memref<2x3x4x8x128xf32, #tpu.memory_space<vmem>>, vector<16xf32>,
        tpu.vector_store %arg7[%parallel_loop3A_310, %parallel_loop3A_311, %parallel_loop3A_312, %parallel_loop3A_313, %parallel_loop3A_314], %parallel_loop3A_307 {strides = array<i32>} : memref<2x3x4x8x128xf32, #tpu.memory_space<vmem>>, vector<16xf32>,
        %parallel_loop3A_316 = arith.constant 406 : i32
        %parallel_loop3A_317 = vector.broadcast %parallel_loop3A_316 : i32 to vector<16xi32>
        %parallel_loop3A_318 = arith.addi %parallel_loop3A_105, %parallel_loop3A_317 : vector<16xi32>
        %parallel_loop3A_319 = tpu.vector_load_idx %arg6[%parallel_loop3A_318] : memref<8352xf32, #tpu.memory_space<vmem>>[vector<16xi32>], vector<16xf32>,
        %parallel_loop3A_320 = arith.constant 1 : i32
        %parallel_loop3A_321 = arith.constant 6 : i32
        %parallel_loop3A_322 = arith.index_cast %select_n3A_68 : i32 to index
        %parallel_loop3A_323 = arith.index_cast %parallel_loop3A_320 : i32 to index
        %parallel_loop3A_324 = arith.index_cast %parallel_loop3A_129 : i32 to index
        %parallel_loop3A_325 = arith.index_cast %parallel_loop3A_321 : i32 to index
        %parallel_loop3A_326 = arith.index_cast %parallel_loop3A_147 : i32 to index
        %parallel_loop3A_327 = tpu.vector_load %arg7[%parallel_loop3A_322, %parallel_loop3A_323, %parallel_loop3A_324, %parallel_loop3A_325, %parallel_loop3A_326] {strides = array<i32>} : memref<2x3x4x8x128xf32, #tpu.memory_space<vmem>>, vector<16xf32>,
        tpu.vector_store %arg7[%parallel_loop3A_322, %parallel_loop3A_323, %parallel_loop3A_324, %parallel_loop3A_325, %parallel_loop3A_326], %parallel_loop3A_319 {strides = array<i32>} : memref<2x3x4x8x128xf32, #tpu.memory_space<vmem>>, vector<16xf32>,
        %parallel_loop3A_328 = arith.constant 435 : i32
        %parallel_loop3A_329 = vector.broadcast %parallel_loop3A_328 : i32 to vector<16xi32>
        %parallel_loop3A_330 = arith.addi %parallel_loop3A_105, %parallel_loop3A_329 : vector<16xi32>
        %parallel_loop3A_331 = tpu.vector_load_idx %arg6[%parallel_loop3A_330] : memref<8352xf32, #tpu.memory_space<vmem>>[vector<16xi32>], vector<16xf32>,
        %parallel_loop3A_332 = arith.constant 1 : i32
        %parallel_loop3A_333 = arith.constant 7 : i32
        %parallel_loop3A_334 = arith.index_cast %select_n3A_68 : i32 to index
        %parallel_loop3A_335 = arith.index_cast %parallel_loop3A_332 : i32 to index
        %parallel_loop3A_336 = arith.index_cast %parallel_loop3A_129 : i32 to index
        %parallel_loop3A_337 = arith.index_cast %parallel_loop3A_333 : i32 to index
        %parallel_loop3A_338 = arith.index_cast %parallel_loop3A_147 : i32 to index
        %parallel_loop3A_339 = tpu.vector_load %arg7[%parallel_loop3A_334, %parallel_loop3A_335, %parallel_loop3A_336, %parallel_loop3A_337, %parallel_loop3A_338] {strides = array<i32>} : memref<2x3x4x8x128xf32, #tpu.memory_space<vmem>>, vector<16xf32>,
        tpu.vector_store %arg7[%parallel_loop3A_334, %parallel_loop3A_335, %parallel_loop3A_336, %parallel_loop3A_337, %parallel_loop3A_338], %parallel_loop3A_331 {strides = array<i32>} : memref<2x3x4x8x128xf32, #tpu.memory_space<vmem>>, vector<16xf32>,
        %parallel_loop3A_340 = arith.constant 464 : i32
        %parallel_loop3A_341 = vector.broadcast %parallel_loop3A_340 : i32 to vector<16xi32>
        %parallel_loop3A_342 = arith.addi %parallel_loop3A_105, %parallel_loop3A_341 : vector<16xi32>
        %parallel_loop3A_343 = tpu.vector_load_idx %arg6[%parallel_loop3A_342] : memref<8352xf32, #tpu.memory_space<vmem>>[vector<16xi32>], vector<16xf32>,
        %parallel_loop3A_344 = arith.constant 2 : i32
        %parallel_loop3A_345 = arith.constant 0 : i32
        %parallel_loop3A_346 = arith.index_cast %select_n3A_68 : i32 to index
        %parallel_loop3A_347 = arith.index_cast %parallel_loop3A_344 : i32 to index
        %parallel_loop3A_348 = arith.index_cast %parallel_loop3A_129 : i32 to index
        %parallel_loop3A_349 = arith.index_cast %parallel_loop3A_345 : i32 to index
        %parallel_loop3A_350 = arith.index_cast %parallel_loop3A_147 : i32 to index
        %parallel_loop3A_351 = tpu.vector_load %arg7[%parallel_loop3A_346, %parallel_loop3A_347, %parallel_loop3A_348, %parallel_loop3A_349, %parallel_loop3A_350] {strides = array<i32>} : memref<2x3x4x8x128xf32, #tpu.memory_space<vmem>>, vector<16xf32>,
        tpu.vector_store %arg7[%parallel_loop3A_346, %parallel_loop3A_347, %parallel_loop3A_348, %parallel_loop3A_349, %parallel_loop3A_350], %parallel_loop3A_343 {strides = array<i32>} : memref<2x3x4x8x128xf32, #tpu.memory_space<vmem>>, vector<16xf32>,
        %parallel_loop3A_352 = arith.constant 493 : i32
        %parallel_loop3A_353 = vector.broadcast %parallel_loop3A_352 : i32 to vector<16xi32>
        %parallel_loop3A_354 = arith.addi %parallel_loop3A_105, %parallel_loop3A_353 : vector<16xi32>
        %parallel_loop3A_355 = tpu.vector_load_idx %arg6[%parallel_loop3A_354] : memref<8352xf32, #tpu.memory_space<vmem>>[vector<16xi32>], vector<16xf32>,
        %parallel_loop3A_356 = arith.constant 2 : i32
        %parallel_loop3A_357 = arith.constant 1 : i32
        %parallel_loop3A_358 = arith.index_cast %select_n3A_68 : i32 to index
        %parallel_loop3A_359 = arith.index_cast %parallel_loop3A_356 : i32 to index
        %parallel_loop3A_360 = arith.index_cast %parallel_loop3A_129 : i32 to index
        %parallel_loop3A_361 = arith.index_cast %parallel_loop3A_357 : i32 to index
        %parallel_loop3A_362 = arith.index_cast %parallel_loop3A_147 : i32 to index
        %parallel_loop3A_363 = tpu.vector_load %arg7[%parallel_loop3A_358, %parallel_loop3A_359, %parallel_loop3A_360, %parallel_loop3A_361, %parallel_loop3A_362] {strides = array<i32>} : memref<2x3x4x8x128xf32, #tpu.memory_space<vmem>>, vector<16xf32>,
        tpu.vector_store %arg7[%parallel_loop3A_358, %parallel_loop3A_359, %parallel_loop3A_360, %parallel_loop3A_361, %parallel_loop3A_362], %parallel_loop3A_355 {strides = array<i32>} : memref<2x3x4x8x128xf32, #tpu.memory_space<vmem>>, vector<16xf32>,
        %parallel_loop3A_364 = arith.constant 522 : i32
        %parallel_loop3A_365 = vector.broadcast %parallel_loop3A_364 : i32 to vector<16xi32>
        %parallel_loop3A_366 = arith.addi %parallel_loop3A_105, %parallel_loop3A_365 : vector<16xi32>
        %parallel_loop3A_367 = tpu.vector_load_idx %arg6[%parallel_loop3A_366] : memref<8352xf32, #tpu.memory_space<vmem>>[vector<16xi32>], vector<16xf32>,
        %parallel_loop3A_368 = arith.constant 2 : i32
        %parallel_loop3A_369 = arith.constant 2 : i32
        %parallel_loop3A_370 = arith.index_cast %select_n3A_68 : i32 to index
        %parallel_loop3A_371 = arith.index_cast %parallel_loop3A_368 : i32 to index
        %parallel_loop3A_372 = arith.index_cast %parallel_loop3A_129 : i32 to index
        %parallel_loop3A_373 = arith.index_cast %parallel_loop3A_369 : i32 to index
        %parallel_loop3A_374 = arith.index_cast %parallel_loop3A_147 : i32 to index
        %parallel_loop3A_375 = tpu.vector_load %arg7[%parallel_loop3A_370, %parallel_loop3A_371, %parallel_loop3A_372, %parallel_loop3A_373, %parallel_loop3A_374] {strides = array<i32>} : memref<2x3x4x8x128xf32, #tpu.memory_space<vmem>>, vector<16xf32>,
        tpu.vector_store %arg7[%parallel_loop3A_370, %parallel_loop3A_371, %parallel_loop3A_372, %parallel_loop3A_373, %parallel_loop3A_374], %parallel_loop3A_367 {strides = array<i32>} : memref<2x3x4x8x128xf32, #tpu.memory_space<vmem>>, vector<16xf32>,
        %parallel_loop3A_376 = arith.constant 551 : i32
        %parallel_loop3A_377 = vector.broadcast %parallel_loop3A_376 : i32 to vector<16xi32>
        %parallel_loop3A_378 = arith.addi %parallel_loop3A_105, %parallel_loop3A_377 : vector<16xi32>
        %parallel_loop3A_379 = tpu.vector_load_idx %arg6[%parallel_loop3A_378] : memref<8352xf32, #tpu.memory_space<vmem>>[vector<16xi32>], vector<16xf32>,
        %parallel_loop3A_380 = arith.constant 2 : i32
        %parallel_loop3A_381 = arith.constant 3 : i32
        %parallel_loop3A_382 = arith.index_cast %select_n3A_68 : i32 to index
        %parallel_loop3A_383 = arith.index_cast %parallel_loop3A_380 : i32 to index
        %parallel_loop3A_384 = arith.index_cast %parallel_loop3A_129 : i32 to index
        %parallel_loop3A_385 = arith.index_cast %parallel_loop3A_381 : i32 to index
        %parallel_loop3A_386 = arith.index_cast %parallel_loop3A_147 : i32 to index
        %parallel_loop3A_387 = tpu.vector_load %arg7[%parallel_loop3A_382, %parallel_loop3A_383, %parallel_loop3A_384, %parallel_loop3A_385, %parallel_loop3A_386] {strides = array<i32>} : memref<2x3x4x8x128xf32, #tpu.memory_space<vmem>>, vector<16xf32>,
        tpu.vector_store %arg7[%parallel_loop3A_382, %parallel_loop3A_383, %parallel_loop3A_384, %parallel_loop3A_385, %parallel_loop3A_386], %parallel_loop3A_379 {strides = array<i32>} : memref<2x3x4x8x128xf32, #tpu.memory_space<vmem>>, vector<16xf32>,
        %parallel_loop3A_388 = arith.constant 580 : i32
        %parallel_loop3A_389 = vector.broadcast %parallel_loop3A_388 : i32 to vector<16xi32>
        %parallel_loop3A_390 = arith.addi %parallel_loop3A_105, %parallel_loop3A_389 : vector<16xi32>
        %parallel_loop3A_391 = tpu.vector_load_idx %arg6[%parallel_loop3A_390] : memref<8352xf32, #tpu.memory_space<vmem>>[vector<16xi32>], vector<16xf32>,
        %parallel_loop3A_392 = arith.constant 2 : i32
        %parallel_loop3A_393 = arith.constant 4 : i32
        %parallel_loop3A_394 = arith.index_cast %select_n3A_68 : i32 to index
        %parallel_loop3A_395 = arith.index_cast %parallel_loop3A_392 : i32 to index
        %parallel_loop3A_396 = arith.index_cast %parallel_loop3A_129 : i32 to index
        %parallel_loop3A_397 = arith.index_cast %parallel_loop3A_393 : i32 to index
        %parallel_loop3A_398 = arith.index_cast %parallel_loop3A_147 : i32 to index
        %parallel_loop3A_399 = tpu.vector_load %arg7[%parallel_loop3A_394, %parallel_loop3A_395, %parallel_loop3A_396, %parallel_loop3A_397, %parallel_loop3A_398] {strides = array<i32>} : memref<2x3x4x8x128xf32, #tpu.memory_space<vmem>>, vector<16xf32>,
        tpu.vector_store %arg7[%parallel_loop3A_394, %parallel_loop3A_395, %parallel_loop3A_396, %parallel_loop3A_397, %parallel_loop3A_398], %parallel_loop3A_391 {strides = array<i32>} : memref<2x3x4x8x128xf32, #tpu.memory_space<vmem>>, vector<16xf32>,
        %parallel_loop3A_400 = arith.constant 609 : i32
        %parallel_loop3A_401 = vector.broadcast %parallel_loop3A_400 : i32 to vector<16xi32>
        %parallel_loop3A_402 = arith.addi %parallel_loop3A_105, %parallel_loop3A_401 : vector<16xi32>
        %parallel_loop3A_403 = tpu.vector_load_idx %arg6[%parallel_loop3A_402] : memref<8352xf32, #tpu.memory_space<vmem>>[vector<16xi32>], vector<16xf32>,
        %parallel_loop3A_404 = arith.constant 2 : i32
        %parallel_loop3A_405 = arith.constant 5 : i32
        %parallel_loop3A_406 = arith.index_cast %select_n3A_68 : i32 to index
        %parallel_loop3A_407 = arith.index_cast %parallel_loop3A_404 : i32 to index
        %parallel_loop3A_408 = arith.index_cast %parallel_loop3A_129 : i32 to index
        %parallel_loop3A_409 = arith.index_cast %parallel_loop3A_405 : i32 to index
        %parallel_loop3A_410 = arith.index_cast %parallel_loop3A_147 : i32 to index
        %parallel_loop3A_411 = tpu.vector_load %arg7[%parallel_loop3A_406, %parallel_loop3A_407, %parallel_loop3A_408, %parallel_loop3A_409, %parallel_loop3A_410] {strides = array<i32>} : memref<2x3x4x8x128xf32, #tpu.memory_space<vmem>>, vector<16xf32>,
        tpu.vector_store %arg7[%parallel_loop3A_406, %parallel_loop3A_407, %parallel_loop3A_408, %parallel_loop3A_409, %parallel_loop3A_410], %parallel_loop3A_403 {strides = array<i32>} : memref<2x3x4x8x128xf32, #tpu.memory_space<vmem>>, vector<16xf32>,
        %parallel_loop3A_412 = arith.constant 638 : i32
        %parallel_loop3A_413 = vector.broadcast %parallel_loop3A_412 : i32 to vector<16xi32>
        %parallel_loop3A_414 = arith.addi %parallel_loop3A_105, %parallel_loop3A_413 : vector<16xi32>
        %parallel_loop3A_415 = tpu.vector_load_idx %arg6[%parallel_loop3A_414] : memref<8352xf32, #tpu.memory_space<vmem>>[vector<16xi32>], vector<16xf32>,
        %parallel_loop3A_416 = arith.constant 2 : i32
        %parallel_loop3A_417 = arith.constant 6 : i32
        %parallel_loop3A_418 = arith.index_cast %select_n3A_68 : i32 to index
        %parallel_loop3A_419 = arith.index_cast %parallel_loop3A_416 : i32 to index
        %parallel_loop3A_420 = arith.index_cast %parallel_loop3A_129 : i32 to index
        %parallel_loop3A_421 = arith.index_cast %parallel_loop3A_417 : i32 to index
        %parallel_loop3A_422 = arith.index_cast %parallel_loop3A_147 : i32 to index
        %parallel_loop3A_423 = tpu.vector_load %arg7[%parallel_loop3A_418, %parallel_loop3A_419, %parallel_loop3A_420, %parallel_loop3A_421, %parallel_loop3A_422] {strides = array<i32>} : memref<2x3x4x8x128xf32, #tpu.memory_space<vmem>>, vector<16xf32>,
        tpu.vector_store %arg7[%parallel_loop3A_418, %parallel_loop3A_419, %parallel_loop3A_420, %parallel_loop3A_421, %parallel_loop3A_422], %parallel_loop3A_415 {strides = array<i32>} : memref<2x3x4x8x128xf32, #tpu.memory_space<vmem>>, vector<16xf32>,
        %parallel_loop3A_424 = arith.constant 667 : i32
        %parallel_loop3A_425 = vector.broadcast %parallel_loop3A_424 : i32 to vector<16xi32>
        %parallel_loop3A_426 = arith.addi %parallel_loop3A_105, %parallel_loop3A_425 : vector<16xi32>
        %parallel_loop3A_427 = tpu.vector_load_idx %arg6[%parallel_loop3A_426] : memref<8352xf32, #tpu.memory_space<vmem>>[vector<16xi32>], vector<16xf32>,
        %parallel_loop3A_428 = arith.constant 2 : i32
        %parallel_loop3A_429 = arith.constant 7 : i32
        %parallel_loop3A_430 = arith.index_cast %select_n3A_68 : i32 to index
        %parallel_loop3A_431 = arith.index_cast %parallel_loop3A_428 : i32 to index
        %parallel_loop3A_432 = arith.index_cast %parallel_loop3A_129 : i32 to index
        %parallel_loop3A_433 = arith.index_cast %parallel_loop3A_429 : i32 to index
        %parallel_loop3A_434 = arith.index_cast %parallel_loop3A_147 : i32 to index
        %parallel_loop3A_435 = tpu.vector_load %arg7[%parallel_loop3A_430, %parallel_loop3A_431, %parallel_loop3A_432, %parallel_loop3A_433, %parallel_loop3A_434] {strides = array<i32>} : memref<2x3x4x8x128xf32, #tpu.memory_space<vmem>>, vector<16xf32>,
        tpu.vector_store %arg7[%parallel_loop3A_430, %parallel_loop3A_431, %parallel_loop3A_432, %parallel_loop3A_433, %parallel_loop3A_434], %parallel_loop3A_427 {strides = array<i32>} : memref<2x3x4x8x128xf32, #tpu.memory_space<vmem>>, vector<16xf32>,
      } {sc.loop_unroll_factor = 1 : i64, sc.parallel_access}
      %mul3A_73 = arith.constant 4 : i32
      %mul3A_74 = arith.muli %add3A, %mul3A_73 : i32
      %dma_start3A = arith.constant 0 : i32
      %dma_start3A_75 = arith.constant 0 : i32
      %dma_start3A_76 = arith.constant 0 : i32
      %dma_start3A_77 = arith.constant 0 : i32
      %dma_start3A_78 = tpu.memref_slice %arg7[%select_n3A_68, %dma_start3A, %dma_start3A_75, %dma_start3A_76, %dma_start3A_77] : memref<2x3x4x8x128xf32, #tpu.memory_space<vmem>> -> memref<1x3x4x8x128xf32, #tpu.memory_space<vmem>>
      %dma_start3A_79 = tpu.memref_squeeze %dma_start3A_78 : memref<1x3x4x8x128xf32, #tpu.memory_space<vmem>> -> memref<3x4x8x128xf32, #tpu.memory_space<vmem>>
      %dma_start3A_80 = arith.constant 0 : i32
      %dma_start3A_81 = arith.constant 0 : i32
      %dma_start3A_82 = arith.constant 0 : i32
      %dma_start3A_83 = tpu.memref_slice %arg4[%scan3A_59, %dma_start3A_80, %mul3A_74, %dma_start3A_81, %dma_start3A_82] : memref<12x3x128x8x128xf32, #tpu.memory_space<hbm>> -> memref<1x3x4x8x128xf32, #tpu.memory_space<hbm>>
      %dma_start3A_84 = tpu.memref_squeeze %dma_start3A_83 : memref<1x3x4x8x128xf32, #tpu.memory_space<hbm>> -> memref<3x4x8x128xf32, #tpu.memory_space<hbm>>
      %dma_start3A_85 = arith.constant 0 : i32
      %dma_start3A_86 = arith.constant 0 : i32
      %dma_start3A_87 = arith.constant 0 : i32
      %dma_start3A_88 = tpu.memref_slice %arg4[%scan3A_59, %dma_start3A_85, %mul3A_74, %dma_start3A_86, %dma_start3A_87] : memref<12x3x128x8x128xf32, #tpu.memory_space<hbm>> -> memref<1x3x4x8x128xf32, #tpu.memory_space<hbm>>
      %dma_start3A_89 = tpu.memref_squeeze %dma_start3A_88 : memref<1x3x4x8x128xf32, #tpu.memory_space<hbm>> -> memref<3x4x8x128xf32, #tpu.memory_space<hbm>>
      %dma_start3A_90 = arith.constant 0 : i32
      %dma_start3A_91 = arith.constant 0 : i32
      %dma_start3A_92 = arith.constant 0 : i32
      %dma_start3A_93 = arith.constant 0 : i32
      %dma_start3A_94 = tpu.memref_slice %arg7[%select_n3A_68, %dma_start3A_90, %dma_start3A_91, %dma_start3A_92, %dma_start3A_93] : memref<2x3x4x8x128xf32, #tpu.memory_space<vmem>> -> memref<1x3x4x8x128xf32, #tpu.memory_space<vmem>>
      %dma_start3A_95 = tpu.memref_squeeze %dma_start3A_94 : memref<1x3x4x8x128xf32, #tpu.memory_space<vmem>> -> memref<3x4x8x128xf32, #tpu.memory_space<vmem>>
      tpu.enqueue_dma source(%dma_start3A_95 : memref<3x4x8x128xf32, #tpu.memory_space<vmem>>) target(%dma_start3A_89 : memref<3x4x8x128xf32, #tpu.memory_space<hbm>>) target_semaphore(%arg8 : memref<!tpu.dma_semaphore, #tpu.memory_space<semaphore_mem>>)
    }
    %scan3A_7 = arith.constant 12 : i32
    %mul3A_8 = arith.constant 4 : i32
    %mul3A_9 = arith.muli %add3A, %mul3A_8 : i32
    %dma_wait3A = arith.constant 0 : i32
    %dma_wait3A_10 = arith.constant 0 : i32
    %dma_wait3A_11 = arith.constant 0 : i32
    %dma_wait3A_12 = arith.constant 0 : i32
    %dma_wait3A_13 = arith.constant 0 : i32
    %dma_wait3A_14 = arith.constant 0 : i32
    %dma_wait3A_15 = tpu.memref_slice %arg7[%dma_wait3A, %dma_wait3A_11, %dma_wait3A_12, %dma_wait3A_13, %dma_wait3A_14] : memref<2x3x4x8x128xf32, #tpu.memory_space<vmem>> -> memref<1x3x4x8x128xf32, #tpu.memory_space<vmem>>
    %dma_wait3A_16 = tpu.memref_squeeze %dma_wait3A_15 : memref<1x3x4x8x128xf32, #tpu.memory_space<vmem>> -> memref<3x4x8x128xf32, #tpu.memory_space<vmem>>
    %dma_wait3A_17 = arith.constant 0 : i32
    %dma_wait3A_18 = arith.constant 0 : i32
    %dma_wait3A_19 = arith.constant 0 : i32
    %dma_wait3A_20 = tpu.memref_slice %arg4[%dma_wait3A_10, %dma_wait3A_17, %mul3A_9, %dma_wait3A_18, %dma_wait3A_19] : memref<12x3x128x8x128xf32, #tpu.memory_space<hbm>> -> memref<1x3x4x8x128xf32, #tpu.memory_space<hbm>>
    %dma_wait3A_21 = tpu.memref_squeeze %dma_wait3A_20 : memref<1x3x4x8x128xf32, #tpu.memory_space<hbm>> -> memref<3x4x8x128xf32, #tpu.memory_space<hbm>>
    %dma_wait3A_22 = arith.constant 0 : i32
    %dma_wait3A_23 = arith.constant 0 : i32
    %dma_wait3A_24 = arith.constant 0 : i32
    %dma_wait3A_25 = tpu.memref_slice %arg4[%dma_wait3A_10, %dma_wait3A_22, %mul3A_9, %dma_wait3A_23, %dma_wait3A_24] : memref<12x3x128x8x128xf32, #tpu.memory_space<hbm>> -> memref<1x3x4x8x128xf32, #tpu.memory_space<hbm>>
    %dma_wait3A_26 = tpu.memref_squeeze %dma_wait3A_25 : memref<1x3x4x8x128xf32, #tpu.memory_space<hbm>> -> memref<3x4x8x128xf32, #tpu.memory_space<hbm>>
    %dma_wait3A_27 = arith.constant 0 : i32
    %dma_wait3A_28 = arith.constant 0 : i32
    %dma_wait3A_29 = arith.constant 0 : i32
    %dma_wait3A_30 = arith.constant 0 : i32
    %dma_wait3A_31 = tpu.memref_slice %arg7[%dma_wait3A, %dma_wait3A_27, %dma_wait3A_28, %dma_wait3A_29, %dma_wait3A_30] : memref<2x3x4x8x128xf32, #tpu.memory_space<vmem>> -> memref<1x3x4x8x128xf32, #tpu.memory_space<vmem>>
    %dma_wait3A_32 = tpu.memref_squeeze %dma_wait3A_31 : memref<1x3x4x8x128xf32, #tpu.memory_space<vmem>> -> memref<3x4x8x128xf32, #tpu.memory_space<vmem>>
    tpu.wait_dma2 semaphore(%arg8 : memref<!tpu.dma_semaphore, #tpu.memory_space<semaphore_mem>>) src(%dma_wait3A_32 : memref<3x4x8x128xf32, #tpu.memory_space<vmem>>) dst(%dma_wait3A_26 : memref<3x4x8x128xf32, #tpu.memory_space<hbm>>)
    %mul3A_33 = arith.constant 4 : i32
    %mul3A_34 = arith.muli %add3A, %mul3A_33 : i32
    %dma_wait3A_35 = arith.constant 1 : i32
    %dma_wait3A_36 = arith.constant 1 : i32
    %dma_wait3A_37 = arith.constant 0 : i32
    %dma_wait3A_38 = arith.constant 0 : i32
    %dma_wait3A_39 = arith.constant 0 : i32
    %dma_wait3A_40 = arith.constant 0 : i32
    %dma_wait3A_41 = tpu.memref_slice %arg7[%dma_wait3A_35, %dma_wait3A_37, %dma_wait3A_38, %dma_wait3A_39, %dma_wait3A_40] : memref<2x3x4x8x128xf32, #tpu.memory_space<vmem>> -> memref<1x3x4x8x128xf32, #tpu.memory_space<vmem>>
    %dma_wait3A_42 = tpu.memref_squeeze %dma_wait3A_41 : memref<1x3x4x8x128xf32, #tpu.memory_space<vmem>> -> memref<3x4x8x128xf32, #tpu.memory_space<vmem>>
    %dma_wait3A_43 = arith.constant 0 : i32
    %dma_wait3A_44 = arith.constant 0 : i32
    %dma_wait3A_45 = arith.constant 0 : i32
    %dma_wait3A_46 = tpu.memref_slice %arg4[%dma_wait3A_36, %dma_wait3A_43, %mul3A_34, %dma_wait3A_44, %dma_wait3A_45] : memref<12x3x128x8x128xf32, #tpu.memory_space<hbm>> -> memref<1x3x4x8x128xf32, #tpu.memory_space<hbm>>
    %dma_wait3A_47 = tpu.memref_squeeze %dma_wait3A_46 : memref<1x3x4x8x128xf32, #tpu.memory_space<hbm>> -> memref<3x4x8x128xf32, #tpu.memory_space<hbm>>
    %dma_wait3A_48 = arith.constant 0 : i32
    %dma_wait3A_49 = arith.constant 0 : i32
    %dma_wait3A_50 = arith.constant 0 : i32
    %dma_wait3A_51 = tpu.memref_slice %arg4[%dma_wait3A_36, %dma_wait3A_48, %mul3A_34, %dma_wait3A_49, %dma_wait3A_50] : memref<12x3x128x8x128xf32, #tpu.memory_space<hbm>> -> memref<1x3x4x8x128xf32, #tpu.memory_space<hbm>>
    %dma_wait3A_52 = tpu.memref_squeeze %dma_wait3A_51 : memref<1x3x4x8x128xf32, #tpu.memory_space<hbm>> -> memref<3x4x8x128xf32, #tpu.memory_space<hbm>>
    %dma_wait3A_53 = arith.constant 0 : i32
    %dma_wait3A_54 = arith.constant 0 : i32
    %dma_wait3A_55 = arith.constant 0 : i32
    %dma_wait3A_56 = arith.constant 0 : i32
    %dma_wait3A_57 = tpu.memref_slice %arg7[%dma_wait3A_35, %dma_wait3A_53, %dma_wait3A_54, %dma_wait3A_55, %dma_wait3A_56] : memref<2x3x4x8x128xf32, #tpu.memory_space<vmem>> -> memref<1x3x4x8x128xf32, #tpu.memory_space<vmem>>
    %dma_wait3A_58 = tpu.memref_squeeze %dma_wait3A_57 : memref<1x3x4x8x128xf32, #tpu.memory_space<vmem>> -> memref<3x4x8x128xf32, #tpu.memory_space<vmem>>
    tpu.wait_dma2 semaphore(%arg8 : memref<!tpu.dma_semaphore, #tpu.memory_space<semaphore_mem>>) src(%dma_wait3A_58 : memref<3x4x8x128xf32, #tpu.memory_space<vmem>>) dst(%dma_wait3A_52 : memref<3x4x8x128xf32, #tpu.memory_space<hbm>>)
    return
  }
}

</mosaic_0001>

<sc_bundles>
// kernel: _ebd_gather.3.cloned.1.call-start
scs
__scs_entry_jumppad:
0x0: {  	(pc) =	sbr.rel $0x88, $3  }
0x1: {  	(tag) =	ssettag $0x0;
	lr =	simm.s32 $0x1  }
0x2: {  	[smem:$0x3F9F] =	sst lr;
	_ =	strace $0xD0000000  }
0x3: {  	_ = 	snop  }
0x4: {  	_ = 	snop  }
0x5: {  	_ = 	snop  }
0x6: {  	_ = 	snop  }
0x7: {  	_ = 	snop  }
__scs_overlays_trampoline_lowered:
0x8: {  	[smem:$0x3FAE] =	sst s0  }
0x9: {  	[smem:$0x3FAF] =	sst s1  }
0xa: {  	[smem:$0x3FB0] =	sst s2  }
0xb: {  	[smem:$0x3FB1] =	sst s3  }
0xc: {  	[smem:$0x3FB2] =	sst s4  }
0xd: {  	[smem:$0x3FB3] =	sst s5  }
0xe: {  	[smem:$0x3FB4] =	sst s6  }
0xf: {  	[smem:$0x3FB5] =	sst s7  }
0x10: {  	[smem:$0x3FB6] =	sst s8  }
0x11: {  	[smem:$0x3FB7] =	sst s9;
	s0 =	simm.s32 @!p0 $0x0  }
0x12: {  	s1 =	sld [smem:$0x3F9D];
	s0 =	simm.s32 @p0 $0x1  }
0x13: {  	[smem:$0x3FB8] =	sst s0;
	s0 =	simm.s32 @!p1 $0x0  }
0x14: {  	s2 =	sld [smem:$0x3F9C];
	s0 =	simm.s32 @p1 $0x1  }
0x15: {  	[smem:$0x3FB9] =	sst s0;
	s0 =	simm.s32 @!p2 $0x0  }
0x16: {  	s3 =	sld [smem:$0x3FDB];
	s0 =	simm.s32 @p2 $0x1  }
0x17: {  	s4 =	simm.s32 $0x1BF5;
	[smem:$0x3FBB] =	sst s0  }
0x18: {  	s0 =	sld [smem:$0x3F9E];
	_ =	swait.ge [sflag:s4], $0x0  }
0x19: {  	s7 =	sld [smem:$0x3F9F]  }
0x1a: {  	s8 =	sadd.s32 $0xFFFFE003, lr  }
0x1b: {  	s9 =	sadd.s32 $0xFFFFFEF7, lr;
	s5 =	simm.s32 $0xFFFFFFFF;
	p2 =	slt.u32 s8, $0xFFFFF086  }
0x1c: {  	p1 =	slt.u32 s9, $0xF7A;
	s5 =	simm.s32 @!p2 $0x0  }
0x1d: {  	s5 =	simm.s32 @p1 $0x1;
	p0 =	seq.s32 s7, s2  }
0x1e: {  	s7 =	smul.u32 @!p0 $0xF7A, s2;
	p2 =	seq.s32 @!p0 s5, $0x0  }
0x1f: {  	s9 =	smul.u32 $0xF7A, s1;
	s8 =	simm.s32 @!p0 $0x1BF5;
	p2 =	por !p2, p0  }
0x20: {  	[sflag:s8] =	ssyncset.s32 @!p0 $0xFFFFF086;
	s6 =	sadd.s32 @!p0 s3, s7;
	s7 =	simm.s32 @!p0 $0x108  }
0x21: {  	s3 =	sadd.s32 s3, s9;
	s6 =	sadd.s32 @!p0 $0x88, s6;
	s7 =	simm.s32 @p2 $0x1082  }
0x22: {  	[simem:s7], [sflag:s8] =	dma.local @!p0 [hbm:s6], $0xF7A  }
0x23: {  	s9 =	sor.u32 $0xD0000000, s2;
	s6 =	simm.s32 $0x108;
	_ =	swait.ge @!p0 [sflag:s8], $0x0  }
0x24: {  	s3 =	sadd.s32 $0x88, s3;
	s6 =	simm.s32 @!p1 $0x1082;
	[sflag:s4] =	ssyncset.s32 $0xFFFFF086  }
0x25: {  	[simem:s6], [sflag:s4] =	dma.local [hbm:s3], $0xF7A  }
0x26: {  	[smem:$0x3F9F] =	sst s1;
	(tag) =	ssettag s2;
	_ =	strace s9  }
0x27: {  	s1 =	sld [smem:$0x3FAF]  }
0x28: {  	s2 =	sld [smem:$0x3FB0]  }
0x29: {  	s4 =	sld [smem:$0x3FB2]  }
0x2a: {  	p0 =	seq.s32 s5, $0x0;
	s5 =	sld [smem:$0x3FB3]  }
0x2b: {  	s6 =	sld [smem:$0x3FB4]  }
0x2c: {  	s7 =	sld [smem:$0x3FB5]  }
0x2d: {  	s3 =	simm.s32 $0x108;
	s8 =	sld [smem:$0x3FB6]  }
0x2e: {  	s3 =	simm.s32 @!p0 $0x1082;
	s9 =	sld [smem:$0x3FB7]  }
0x2f: {  	lr =	sadd.s32 s0, s3;
	s0 =	sld [smem:$0x3FAE]  }
0x30: {  	s3 =	sld [smem:$0x3FB1]  }
0x31: {  	[smem:$0x3FBA] =	sst s10  }
0x32: {  	s10 =	sld [smem:$0x3FB8];
	_ =	sdelay $0x3  }
0x33: {  	p0 =	seq.s32 s10, $0x1;
	s10 =	sld [smem:$0x3FBA];
	_ =	sdelay $0x3  }
0x34: {  	[smem:$0x3FBA] =	sst s10  }
0x35: {  	s10 =	sld [smem:$0x3FB9];
	_ =	sdelay $0x3  }
0x36: {  	p1 =	seq.s32 s10, $0x1;
	s10 =	sld [smem:$0x3FBA];
	_ =	sdelay $0x3  }
0x37: {  	[smem:$0x3FBA] =	sst s10  }
0x38: {  	s10 =	sld [smem:$0x3FBB]  }
0x39: {  	_ = 	snop;
	(pc) =	sbr.ind lr, $3  }
0x3a: {  	_ = 	snop  }
0x3b: {  	_ = 	snop  }
0x3c: {  	p2 =	seq.s32 s10, $0x1;
	s10 =	sld [smem:$0x3FBA]  }
0x3d: {  	_ =	shalt  }
0x3e: {  	_ =	shalt  }
0x3f: {  	_ =	shalt  }
0x40: {  	_ =	shalt  }
0x41: {  	_ =	shalt  }
0x42: {  	_ =	shalt  }
0x43: {  	_ =	shalt  }
0x44: {  	_ =	shalt  }
0x45: {  	_ =	shalt  }
0x46: {  	_ =	shalt  }
0x47: {  	_ =	shalt  }
0x48: {  	_ =	shalt  }
0x49: {  	_ =	shalt  }
0x4a: {  	_ =	shalt  }
0x4b: {  	_ =	shalt  }
0x4c: {  	_ =	shalt  }
0x4d: {  	_ =	shalt  }
0x4e: {  	_ =	shalt  }
0x4f: {  	_ =	shalt  }
0x50: {  	_ =	shalt  }
0x51: {  	_ =	shalt  }
0x52: {  	_ =	shalt  }
0x53: {  	_ =	shalt  }
0x54: {  	_ =	shalt  }
0x55: {  	_ =	shalt  }
0x56: {  	_ =	shalt  }
0x57: {  	_ =	shalt  }
0x58: {  	_ =	shalt  }
0x59: {  	_ =	shalt  }
0x5a: {  	_ =	shalt  }
0x5b: {  	_ =	shalt  }
0x5c: {  	_ =	shalt  }
0x5d: {  	_ =	shalt  }
0x5e: {  	_ =	shalt  }
0x5f: {  	_ =	shalt  }
0x60: {  	_ =	shalt  }
0x61: {  	_ =	shalt  }
0x62: {  	_ =	shalt  }
0x63: {  	_ =	shalt  }
0x64: {  	_ =	shalt  }
0x65: {  	_ =	shalt  }
0x66: {  	_ =	shalt  }
0x67: {  	_ =	shalt  }
0x68: {  	_ =	shalt  }
0x69: {  	_ =	shalt  }
0x6a: {  	_ =	shalt  }
0x6b: {  	_ =	shalt  }
0x6c: {  	_ =	shalt  }
0x6d: {  	_ =	shalt  }
0x6e: {  	_ =	shalt  }
0x6f: {  	_ =	shalt  }
0x70: {  	_ =	shalt  }
0x71: {  	_ =	shalt  }
0x72: {  	_ =	shalt  }
0x73: {  	_ =	shalt  }
0x74: {  	_ =	shalt  }
0x75: {  	_ =	shalt  }
0x76: {  	_ =	shalt  }
0x77: {  	_ =	shalt  }
0x78: {  	_ =	shalt  }
0x79: {  	_ =	shalt  }
0x7a: {  	_ =	shalt  }
0x7b: {  	_ =	shalt  }
0x7c: {  	_ =	shalt  }
0x7d: {  	_ =	shalt  }
0x7e: {  	_ =	shalt  }
0x7f: {  	_ =	shalt  }
0x80: {  	_ =	shalt  }
0x81: {  	_ =	shalt  }
0x82: {  	_ =	shalt  }
0x83: {  	_ =	shalt  }
0x84: {  	_ =	shalt  }
0x85: {  	_ =	shalt  }
0x86: {  	_ =	shalt  }
0x87: {  	_ =	shalt  }
.Lfunc_end0:
.L_simem_size_0:
called_computation_lowered:
.L_overlay_start_0:
0x88: {  	s2 =	sld [smem:$0x3FD9]  }
0x89: {  	s3 =	sld [smem:$0x3FFE];
	_ =	sdelay $0x1  }
0x8a: {  	s1 =	srdreg.scid  }
0x8b: {  	s0 =	sand.u32 $0x1, s1  }
0x8c: {  	s17 =	sshll.u32 s0, $0xA;
	s2 =	sadd.s32 s3, s2  }
0x8d: {  	s2 =	sadd.s32 s2, s17  }
0x8e: {  	[smem:$0x3FC6] =	sst s2  }
0x8f: {  	_ = 	snop  }
0x90: {  	s2 =	sld [smem:$0x3FC8]  }
0x91: {  	s18 =	sld [smem:$0x3FD0];
	(tm) =	ssettm $0x1  }
0x92: {  	s4 =	sld [smem:$0x3FFB];
	_ =	sdelay $0x3  }
0x93: {  	_ =	strace s4  }
0x94: {  	s4 =	sld [smem:$0x3FFC];
	_ =	sdelay $0x3  }
0x95: {  	_ =	strace s4  }
0x96: {  	s4 =	sld [smem:$0x3FFD];
	_ =	sdelay $0x3  }
0x97: {  	_ =	strace s4  }
0x98: {  	_ =	strace $0x8FFFFFFF  }
0x99: {  	s19 =	sld [smem:$0x3FDB];
	_ =	sdelay $0x1  }
0x9a: {  	s5 =	simm.s32 $_scs_section_size  }
0x9b: {  	s6 =	simm.s32 $_size__tile_overlayer_lowered;
	s7 =	simm.s32 $_tile_overlayer_lowered  }
0x9c: {  	s22 =	simm.s32 $0x1BFF;
	s21 =	sshll.u32 s7, $0x1;
	s4 =	sadd.s32 s5, s19  }
0x9d: {  	s8 =	simm.s32 $0x0;
	s20 =	sshll.u32 s6, $0x1;
	s6 =	sadd.s32 s21, s4  }
0x9e: {  	[timem:s8], [sflag:s22] =	dma.local [hbm:s6], s20  }
0x9f: {  	_ =	swait.ge [sflag:s22], s20  }
0xa0: {  	s5 =	ssub.s32 $0x0, s20;
	[sflag:s22] =	ssyncset.done $0x0  }
0xa1: {  	[sflag:s22] =	ssyncadd.s32 s5;
	_ =	sdelay $0x1  }
0xa2: {  	s23 =	simm.s32 $0x1B8B  }
0xa3: {  	_ =	swait.ge [sflag:s23], $0x1  }
0xa4: {  	[sflag:s23] =	ssyncset.done $0x0  }
0xa5: {  	s25 =	simm.s32 $0x1B8E;
	s24 =	sld [smem:$0x3FFE];
	[sflag:s23] =	ssyncadd.s32 $0xFFFFFFFF  }
0xa6: {  	s26 =	simm.s32 $execute0_lowered;
	[smem:$0x3FD2] =	sst s25  }
0xa7: {  	s6 =	sshll.u32 s26, $0x1;
	_ =	strace $0x80000046;
	[dreg:$0x1] =	wrdreg $0xFFFFFFFF  }
0xa8: {  	s28 =	simm.s32 $_size_execute0_lowered;
	s4 =	sadd.s32 s4, s6;
	[dreg:$0x0] =	wrdreg $0x0  }
0xa9: {  	s6 =	sshll.u32 s28, $0x1;
	[dreg:$0x2] =	wrdreg s4  }
0xaa: {  	[dreg:$0x3] =	wrdreg s6  }
0xab: {  	[dreg:$0x4] =	wrdreg $0xC0  }
0xac: {  	_ =	task [dreg:s8], $0x5FFFF  }
0xad: {  	[dreg:$0x1] =	wrdreg $0xFFFFFFFF  }
0xae: {  	[dreg:$0x0] =	wrdreg $0x60  }
0xaf: {  	[dreg:$0x2] =	wrdreg s24  }
0xb0: {  	[dreg:$0x3] =	wrdreg s2  }
0xb1: {  	[dreg:$0x4] =	wrdreg s18  }
0xb2: {  	[dreg:$0x5] =	wrdreg $0x9  }
0xb3: {  	_ =	task.clear_ibuf [dreg:s8], $0x6FFFF;
	_ =	strace $0x90000046  }
0xb4: {  	s29 =	simm.s32 $0x9;
	_ =	strace $0x80000048  }
0xb5: {  	_ =	swait.ge [sflag:s29], $0x1  }
0xb6: {  	[sflag:s29] =	ssyncadd.s32 $0xFFFFFFFF  }
0xb7: {  	_ =	strace $0x90000048  }
0xb8: {  	_ =	sfence  }
0xb9: {  	s30 =	sld [smem:$0x0];
	_ =	sdelay $0x2  }
0xba: {  	s31 =	sshll.u32 s1, $0xD;
	s1 =	sshrl.u32 s1, $0x2  }
0xbb: {  	s3 =	sand.u32 $0x4000, s31;
	s1 =	sadd.s32 s1, s30  }
0xbc: {  	s0 =	sor.u32 s3, s0;
	s1 =	sshll.u32 s1, $0x11  }
0xbd: {  	s0 =	sor.u32 s1, s0  }
0xbe: {  	s0 =	sadd.s32 $0x8F2B, s0  }
0xbf: {  	[sflag:s0] =	ssyncadd.remote.s32 $0x1  }
0xc0: {  	_ =	sfence.sel $0xFFFF  }
0xc1: {  	[dreg:$0x0] =	wrdreg $0xFFFFFFFF;
	(pc) =	sbr.abs _section_cstart, $3  }
0xc2: {  	[dreg:$0x1] =	wrdreg $0xFFFFFFFF  }
0xc3: {  	_ =	task.clear_ibuf [dreg:s8], $0x2FFFF;
	_ =	strace $0x9FFFFFFF  }
0xc4: {  	(tm) =	ssettm $0x7FFFFFFF  }
0xc5: {  	_ =	shalt  }
tec
execute0_lowered:
.L_overlay_start_1:
0x0: {  	(tag) =	ssettag $0x1  }
0x1: {  	s0 =	rddreg [dreg:$0x0]  }
0x2: {  	s1 =	srdreg.scid;
	s2 =	stileid.u32  }
0x3: {  	s3 =	rddreg [dreg:$0x2];
	s1 =	sand.u32 $0x1, s1;
	s2 =	sshll.u32 s2, $0x1  }
0x4: {  	s4 =	simm.s32 $0x0;
	s11 =	simm.s32 $0x1800;
	s2 =	sor.u32 s1, s2  }
0x5: {  	s12 =	simm.s32 $0x1000;
	s1 =	ssub.s32 $0x2, s1;
	s29 =	sshll.u32 s2, $0x6  }
0x6: {  	s13 =	simm.s32 $0x20000;
	s30 =	sshrl.u32 s1, $0x1;
	s0 =	sadd.s32 s29, s0  }
0x7: {  	[smem:$0x7FF] =	sst s4;
	s1 =	ssub.s32 s1, s30;
	s0 =	sadd.s32 $0x400, s0  }
0x8: {  	_ =	strace $0x80000047;
	s31 =	smax.u32 s1, $0x1;
	[dreg:$0x4] =	wrdreg s0  }
0x9: {  	s6 =	sshll.u32 s2, $0xC;
	s2 =	simm.s32 $0x0;
	[dreg:$0x5] =	wrdreg s31  }
.LBB2_1:
0xa: {  	[dreg:$0x6] =	wrdreg s2  }
0xb: {  	s1 =	simm.s32 $0x0;
	s0 =	rddreg [dreg:$0x4]  }
0xc: {  	s29 =	simm.s32 $0x200;
	s4 =	simm.s32 $0x4000;
	s30 =	simm.s32 $0x2  }
0xd: {  	[tilespmem:s1], [sflag:$0x2] =	stream.strided.gather [hbm4b:s0+s29], $0x1800, s4, s29, $0x38;
	[tilespmem:$0x98A0] =	vst v63  }
0xe: {  	_ =	swait.ge [sflag:s30], $0x1800  }
0xf: {  	[sflag:s30] =	ssyncset.done $0x0  }
0x10: {  	[sflag:s30] =	ssyncadd.s32 $0xFFFFE800  }
0x11: {  	s31 =	rddreg [dreg:$0x1]  }
0x12: {  	[tilespmem:s11], [sflag:$0x2] =	stream.linear.gather [hbm4b:s31+s1], $0x20A0, $0x38;
	[tilespmem:$0x98A0] =	vst v63  }
0x13: {  	_ =	swait.ge [sflag:s30], $0x20A0  }
0x14: {  	[sflag:s30] =	ssyncset.done $0x0  }
0x15: {  	s16 =	simm.s32 $0x0;
	s17 =	simm.s32 $0x0;
	[sflag:s30] =	ssyncadd.s32 $0xFFFFDF60  }
.LBB2_2:
0x16: {  	p0 =	slt.u32 s17, $0x2  }
0x17: {  	s0 =	simm.s32 @!p0 $0x1  }
0x18: {  	_ =	swait.ge @!p0 [sflag:s0], $0x3000  }
0x19: {  	[sflag:s0] =	ssyncset.done @!p0 $0x0  }
0x1a: {  	[sflag:s0] =	ssyncadd.s32 @!p0 $0xFFFFD000  }
0x1b: {  	v1 =	vld [tilespmem:s16+$0x0];
	_ =	sdelay $0x1  }
0x1c: {  	s9 =	smul.u32 $0x2B8, s17;
	_ =	sdelay $0x1  }
0x1d: {  	v6 =	vmov s9  }
0x1e: {  	v11 =	vadd.s32 v6, v1;
	_ =	sdelay $0x3  }
0x1f: {  	s10 =	sand.u32 $0x1, s17  }
0x20: {  	s5 =	simm.s32 $0x3000;
	p0 =	seq.s32 s10, $0x1;
	v0 =	vld.idx.msk [tilespmem:v11+s11+$0x0], $0xffff  }
0x21: {  	s14 =	simm.s32 $0x0;
	s5 =	simm.s32 @!p0 $0x0;
	v2 =	vadd.s32 $0x1D, v11  }
0x22: {  	s4 =	sand.u32 $0xC00, s14;
	s18 =	sadd.s32 $0x38A0, s5  }
0x23: {  	s2 =	sand.u32 $0x70, s14;
	s15 =	sadd.s32 s4, s18  }
0x24: {  	s9 =	sadd.s32 s2, s15  }
0x25: {  	[tilespmem:s9+$0x0] =	vst v0  }
0x26: {  	v0 =	vld.idx.msk [tilespmem:v2+s11+$0x0], $0xffff  }
0x27: {  	v2 =	vadd.s32 $0x3A, v11;
	_ =	sdelay $0x2  }
0x28: {  	s7 =	sadd.s32 $0x10, s16  }
0x29: {  	v4 =	vld [tilespmem:s7+$0x0];
	[tilespmem:s9+$0x80] =	vst v0  }
0x2a: {  	v0 =	vld.idx.msk [tilespmem:v2+s11+$0x0], $0xffff  }
0x2b: {  	v2 =	vadd.s32 $0x57, v11;
	_ =	sdelay $0x2  }
0x2c: {  	v3 =	vadd.s32 v6, v4  }
0x2d: {  	[tilespmem:s9+$0x100] =	vst v0  }
0x2e: {  	v0 =	vld.idx.msk [tilespmem:v2+s11+$0x0], $0xffff  }
0x2f: {  	v2 =	vadd.s32 $0x74, v11;
	_ =	sdelay $0x1  }
0x30: {  	v5 =	vld.idx.msk [tilespmem:v3+s11+$0x0], $0xffff  }
0x31: {  	s19 =	simm.s32 $0x80;
	v7 =	vadd.s32 $0x1D, v3  }
0x32: {  	s1 =	simm.s32 $0x10;
	s0 =	sand.u32 $0xC00, s19;
	[tilespmem:s9+$0x180] =	vst v0  }
0x33: {  	s1 =	sand.u32 $0x70, s1;
	s8 =	sadd.s32 s0, s18;
	v0 =	vld.idx.msk [tilespmem:v2+s11+$0x0], $0xffff  }
0x34: {  	s8 =	sadd.s32 s1, s8;
	v2 =	vadd.s32 $0x91, v11  }
0x35: {  	[tilespmem:s8+$0x0] =	vst v5  }
0x36: {  	v5 =	vld.idx.msk [tilespmem:v7+s11+$0x0], $0xffff  }
0x37: {  	v7 =	vadd.s32 $0x3A, v3  }
0x38: {  	[tilespmem:s9+$0x200] =	vst v0  }
0x39: {  	v0 =	vld.idx.msk [tilespmem:v2+s11+$0x0], $0xffff  }
0x3a: {  	s10 =	sadd.s32 $0x10, s7;
	v2 =	vadd.s32 $0xAE, v11  }
0x3b: {  	v9 =	vld [tilespmem:s10+$0x0];
	[tilespmem:s8+$0x80] =	vst v5  }
0x3c: {  	v5 =	vld.idx.msk [tilespmem:v7+s11+$0x0], $0xffff  }
0x3d: {  	v7 =	vadd.s32 $0x57, v3  }
0x3e: {  	[tilespmem:s9+$0x280] =	vst v0  }
0x3f: {  	v2 =	vld.idx.msk [tilespmem:v2+s11+$0x0], $0xffff  }
0x40: {  	v8 =	vadd.s32 $0xCB, v11  }
0x41: {  	[tilespmem:s8+$0x100] =	vst v5;
	v0 =	vadd.s32 v6, v9  }
0x42: {  	v5 =	vld.idx.msk [tilespmem:v7+s11+$0x0], $0xffff  }
0x43: {  	v7 =	vadd.s32 $0x74, v3  }
0x44: {  	v1 =	vand.u32 $0x7, v1;
	[tilespmem:s9+$0x300] =	vst v2;
	v2 =	vand.u32 $0xFFFFFFF8, v11  }
0x45: {  	v8 =	vld.idx.msk [tilespmem:v8+s11+$0x0], $0xffff;
	v10 =	vor.u32 v1, v2  }
0x46: {  	v1 =	vld.idx.msk [tilespmem:v0+s11+$0x0], $0xffff;
	v2 =	vadd.s32 $0xE8, v10  }
0x47: {  	s20 =	simm.s32 $0x100;
	[tilespmem:s8+$0x180] =	vst v5;
	v12 =	vadd.s32 $0x1D, v0  }
0x48: {  	s21 =	simm.s32 $0x20;
	s19 =	sand.u32 $0xC00, s20;
	v5 =	vld.idx.msk [tilespmem:v7+s11+$0x0], $0xffff  }
0x49: {  	s20 =	sand.u32 $0x70, s21;
	s22 =	sadd.s32 s19, s18;
	v7 =	vadd.s32 $0x91, v3  }
0x4a: {  	s7 =	sadd.s32 s20, s22;
	[tilespmem:s9+$0x380] =	vst v8  }
0x4b: {  	[tilespmem:s7+$0x0] =	vst v1;
	v1 =	vld.idx.msk [tilespmem:v2+s11+$0x0], $0xffff  }
0x4c: {  	v8 =	vadd.s32 $0x105, v11;
	v2 =	vld.idx.msk [tilespmem:v12+s11+$0x0], $0xffff  }
0x4d: {  	s26 =	sor.u32 $0x48A0, s5;
	[tilespmem:s8+$0x200] =	vst v5;
	v12 =	vadd.s32 $0x3A, v0  }
0x4e: {  	s23 =	sadd.s32 s4, s26;
	v5 =	vld.idx.msk [tilespmem:v7+s11+$0x0], $0xffff  }
0x4f: {  	s10 =	sadd.s32 $0x10, s10;
	v13 =	vadd.s32 $0xAE, v3;
	s9 =	sadd.s32 s2, s23  }
0x50: {  	v7 =	vld [tilespmem:s10+$0x0];
	[tilespmem:s9+$0x0] =	vst v1  }
0x51: {  	[tilespmem:s7+$0x80] =	vst v2;
	v1 =	vld.idx.msk [tilespmem:v8+s11+$0x0], $0xffff  }
0x52: {  	v2 =	vld.idx.msk [tilespmem:v12+s11+$0x0], $0xffff;
	v8 =	vadd.s32 $0x122, v11  }
0x53: {  	[tilespmem:s8+$0x280] =	vst v5;
	v12 =	vadd.s32 $0x57, v0  }
0x54: {  	v5 =	vld.idx.msk [tilespmem:v13+s11+$0x0], $0xffff  }
0x55: {  	v13 =	vadd.s32 $0xCB, v3  }
0x56: {  	[tilespmem:s9+$0x80] =	vst v1;
	v1 =	vadd.s32 v6, v7  }
0x57: {  	[tilespmem:s7+$0x100] =	vst v2;
	v2 =	vld.idx.msk [tilespmem:v8+s11+$0x0], $0xffff  }
0x58: {  	v8 =	vld.idx.msk [tilespmem:v12+s11+$0x0], $0xffff;
	v12 =	vadd.s32 $0x13F, v11  }
0x59: {  	v4 =	vand.u32 $0x7, v4;
	v14 =	vadd.s32 $0x74, v0;
	[tilespmem:s8+$0x300] =	vst v5;
	v5 =	vand.u32 $0xFFFFFFF8, v3  }
0x5a: {  	v13 =	vld.idx.msk [tilespmem:v13+s11+$0x0], $0xffff;
	v5 =	vor.u32 v4, v5  }
0x5b: {  	v15 =	vadd.s32 $0xE8, v5;
	v4 =	vld.idx.msk [tilespmem:v1+s11+$0x0], $0xffff  }
0x5c: {  	s14 =	simm.s32 $0x180;
	[tilespmem:s9+$0x100] =	vst v2;
	v2 =	vadd.s32 $0x1D, v1  }
0x5d: {  	s24 =	simm.s32 $0x30;
	s22 =	sand.u32 $0xC00, s14;
	[tilespmem:s7+$0x180] =	vst v8;
	v8 =	vld.idx.msk [tilespmem:v12+s11+$0x0], $0xffff  }
0x5e: {  	s21 =	sand.u32 $0x70, s24;
	s25 =	sadd.s32 s22, s18;
	v12 =	vld.idx.msk [tilespmem:v14+s11+$0x0], $0xffff;
	v14 =	vadd.s32 $0x15C, v11  }
0x5f: {  	s14 =	sadd.s32 s21, s25;
	v16 =	vadd.s32 $0x91, v0;
	[tilespmem:s8+$0x380] =	vst v13  }
0x60: {  	[tilespmem:s14+$0x0] =	vst v4;
	v4 =	vld.idx.msk [tilespmem:v15+s11+$0x0], $0xffff  }
0x61: {  	v13 =	vadd.s32 $0x105, v3;
	v2 =	vld.idx.msk [tilespmem:v2+s11+$0x0], $0xffff  }
0x62: {  	v15 =	vadd.s32 $0x3A, v1;
	[tilespmem:s9+$0x180] =	vst v8  }
0x63: {  	s15 =	sadd.s32 s0, s26;
	[tilespmem:s7+$0x200] =	vst v12;
	v12 =	vld.idx.msk [tilespmem:v14+s11+$0x0], $0xffff  }
0x64: {  	s25 =	sadd.s32 $0x10, s10;
	s10 =	sadd.s32 s1, s15;
	v14 =	vld.idx.msk [tilespmem:v16+s11+$0x0], $0xffff;
	v16 =	vadd.s32 $0x179, v11  }
0x65: {  	v17 =	vadd.s32 $0xAE, v0;
	v8 =	vld [tilespmem:s25+$0x0];
	[tilespmem:s10+$0x0] =	vst v4  }
0x66: {  	[tilespmem:s14+$0x80] =	vst v2;
	v2 =	vld.idx.msk [tilespmem:v13+s11+$0x0], $0xffff  }
0x67: {  	v13 =	vadd.s32 $0x122, v3;
	v4 =	vld.idx.msk [tilespmem:v15+s11+$0x0], $0xffff  }
0x68: {  	[tilespmem:s9+$0x200] =	vst v12;
	v12 =	vadd.s32 $0x57, v1  }
0x69: {  	[tilespmem:s7+$0x280] =	vst v14;
	v14 =	vld.idx.msk [tilespmem:v16+s11+$0x0], $0xffff  }
0x6a: {  	v15 =	vld.idx.msk [tilespmem:v17+s11+$0x0], $0xffff;
	v16 =	vadd.s32 $0x196, v11  }
0x6b: {  	v17 =	vadd.s32 $0xCB, v0;
	[tilespmem:s10+$0x80] =	vst v2  }
0x6c: {  	v2 =	vadd.s32 v6, v8;
	[tilespmem:s14+$0x100] =	vst v4;
	v4 =	vld.idx.msk [tilespmem:v13+s11+$0x0], $0xffff  }
0x6d: {  	v18 =	vadd.s32 $0x13F, v3;
	v12 =	vld.idx.msk [tilespmem:v12+s11+$0x0], $0xffff  }
0x6e: {  	[tilespmem:s9+$0x280] =	vst v14;
	v14 =	vadd.s32 $0x74, v1  }
0x6f: {  	v9 =	vand.u32 $0x7, v9;
	v13 =	vand.u32 $0xFFFFFFF8, v0;
	[tilespmem:s7+$0x300] =	vst v15;
	v15 =	vld.idx.msk [tilespmem:v16+s11+$0x0], $0xffff  }
0x70: {  	v13 =	vor.u32 v9, v13;
	v9 =	vadd.s32 $0x1B3, v11;
	v16 =	vld.idx.msk [tilespmem:v17+s11+$0x0], $0xffff  }
0x71: {  	v19 =	vadd.s32 $0xE8, v13;
	v17 =	vld.idx.msk [tilespmem:v2+s11+$0x0], $0xffff;
	[tilespmem:s10+$0x100] =	vst v4  }
0x72: {  	s23 =	simm.s32 $0x200;
	v4 =	vadd.s32 $0x1D, v2;
	[tilespmem:s14+$0x180] =	vst v12;
	v12 =	vld.idx.msk [tilespmem:v18+s11+$0x0], $0xffff  }
0x73: {  	s24 =	simm.s32 $0x40;
	s23 =	sand.u32 $0xC00, s23;
	v18 =	vadd.s32 $0x15C, v3;
	v14 =	vld.idx.msk [tilespmem:v14+s11+$0x0], $0xffff  }
0x74: {  	s24 =	sand.u32 $0x70, s24;
	s15 =	sadd.s32 s23, s18;
	[tilespmem:s9+$0x300] =	vst v15;
	v15 =	vadd.s32 $0x91, v1  }
0x75: {  	s8 =	sadd.s32 s24, s15;
	[tilespmem:s7+$0x380] =	vst v16;
	v16 =	vld.idx.msk [tilespmem:v9+s11+$0x0], $0xffff  }
0x76: {  	v10 =	vadd.s32 $0x1D0, v10;
	[tilespmem:s8+$0x0] =	vst v17;
	v17 =	vld.idx.msk [tilespmem:v19+s11+$0x0], $0xffff  }
0x77: {  	v19 =	vadd.s32 $0x105, v0;
	v4 =	vld.idx.msk [tilespmem:v4+s11+$0x0], $0xffff;
	[tilespmem:s10+$0x180] =	vst v12  }
0x78: {  	v12 =	vadd.s32 $0x3A, v2;
	[tilespmem:s14+$0x200] =	vst v14;
	v14 =	vld.idx.msk [tilespmem:v18+s11+$0x0], $0xffff  }
0x79: {  	s28 =	sadd.s32 $0x10, s25;
	s25 =	sadd.s32 s19, s26;
	v18 =	vadd.s32 $0x179, v3;
	v15 =	vld.idx.msk [tilespmem:v15+s11+$0x0], $0xffff  }
0x7a: {  	s7 =	sadd.s32 s20, s25;
	v9 =	vld [tilespmem:s28+$0x0];
	[tilespmem:s9+$0x380] =	vst v16;
	v16 =	vadd.s32 $0xAE, v1  }
0x7b: {  	[tilespmem:s7+$0x0] =	vst v17;
	v17 =	vld.idx.msk [tilespmem:v10+s11+$0x0], $0xffff  }
0x7c: {  	[tilespmem:s8+$0x80] =	vst v4;
	v4 =	vld.idx.msk [tilespmem:v19+s11+$0x0], $0xffff;
	v19 =	vadd.s32 $0x1ED, v11  }
0x7d: {  	v20 =	vadd.s32 $0x122, v0;
	s25 =	sadd.s32 $0x58A0, s5;
	v12 =	vld.idx.msk [tilespmem:v12+s11+$0x0], $0xffff;
	[tilespmem:s10+$0x200] =	vst v14  }
0x7e: {  	s5 =	sadd.s32 s4, s25;
	v14 =	vadd.s32 $0x57, v2;
	[tilespmem:s14+$0x280] =	vst v15;
	v15 =	vld.idx.msk [tilespmem:v18+s11+$0x0], $0xffff  }
0x7f: {  	s4 =	sadd.s32 $0x10, s28;
	s30 =	sadd.s32 s2, s5;
	v18 =	vadd.s32 $0x196, v3;
	v16 =	vld.idx.msk [tilespmem:v16+s11+$0x0], $0xffff  }
0x80: {  	v10 =	vld [tilespmem:s4+$0x0];
	[tilespmem:s30+$0x0] =	vst v17;
	v17 =	vadd.s32 $0xCB, v1  }
0x81: {  	[tilespmem:s7+$0x80] =	vst v4;
	v4 =	vadd.s32 v6, v9;
	v19 =	vld.idx.msk [tilespmem:v19+s11+$0x0], $0xffff  }
0x82: {  	[tilespmem:s8+$0x100] =	vst v12;
	v12 =	vld.idx.msk [tilespmem:v20+s11+$0x0], $0xffff;
	v20 =	vadd.s32 $0x20A, v11  }
0x83: {  	v21 =	vadd.s32 $0x13F, v0;
	v14 =	vld.idx.msk [tilespmem:v14+s11+$0x0], $0xffff;
	[tilespmem:s10+$0x280] =	vst v15  }
0x84: {  	v7 =	vand.u32 $0x7, v7;
	v15 =	vadd.s32 $0x74, v2;
	[tilespmem:s14+$0x300] =	vst v16;
	v16 =	vld.idx.msk [tilespmem:v18+s11+$0x0], $0xffff;
	v18 =	vand.u32 $0xFFFFFFF8, v1  }
0x85: {  	v17 =	vld.idx.msk [tilespmem:v17+s11+$0x0], $0xffff;
	v7 =	vor.u32 v7, v18;
	v18 =	vadd.s32 $0x1B3, v3  }
0x86: {  	v22 =	vld.idx.msk [tilespmem:v4+s11+$0x0], $0xffff;
	[tilespmem:s30+$0x80] =	vst v19;
	v19 =	vadd.s32 $0xE8, v7  }
0x87: {  	s5 =	simm.s32 $0x280;
	[tilespmem:s7+$0x100] =	vst v12;
	v12 =	vld.idx.msk [tilespmem:v20+s11+$0x0], $0xffff;
	v20 =	vadd.s32 $0x1D, v4  }
0x88: {  	s28 =	sand.u32 $0xC00, s5;
	s9 =	simm.s32 $0x50;
	[tilespmem:s8+$0x180] =	vst v14;
	v14 =	vld.idx.msk [tilespmem:v21+s11+$0x0], $0xffff;
	v21 =	vadd.s32 $0x227, v11  }
0x89: {  	v23 =	vadd.s32 $0x15C, v0;
	s15 =	sadd.s32 s28, s18;
	s29 =	sand.u32 $0x70, s9;
	v15 =	vld.idx.msk [tilespmem:v15+s11+$0x0], $0xffff;
	[tilespmem:s10+$0x300] =	vst v16  }
0x8a: {  	s9 =	sadd.s32 s29, s15;
	v16 =	vadd.s32 $0x91, v2;
	[tilespmem:s14+$0x380] =	vst v17;
	v17 =	vld.idx.msk [tilespmem:v18+s11+$0x0], $0xffff  }
0x8b: {  	v5 =	vadd.s32 $0x1D0, v5;
	[tilespmem:s9+$0x0] =	vst v22;
	v18 =	vld.idx.msk [tilespmem:v19+s11+$0x0], $0xffff  }
0x8c: {  	v19 =	vld.idx.msk [tilespmem:v20+s11+$0x0], $0xffff;
	[tilespmem:s30+$0x100] =	vst v12;
	v12 =	vadd.s32 $0x105, v1  }
0x8d: {  	[tilespmem:s7+$0x180] =	vst v14;
	v20 =	vadd.s32 $0x3A, v4;
	v14 =	vld.idx.msk [tilespmem:v21+s11+$0x0], $0xffff  }
0x8e: {  	s5 =	sadd.s32 s22, s26;
	[tilespmem:s8+$0x200] =	vst v15;
	v15 =	vld.idx.msk [tilespmem:v23+s11+$0x0], $0xffff  }
0x8f: {  	s31 =	sadd.s32 s21, s5;
	v21 =	vadd.s32 $0x244, v11;
	v16 =	vld.idx.msk [tilespmem:v16+s11+$0x0], $0xffff;
	[tilespmem:s10+$0x380] =	vst v17  }
0x90: {  	v22 =	vadd.s32 $0x179, v0;
	[tilespmem:s31+$0x0] =	vst v18;
	v5 =	vld.idx.msk [tilespmem:v5+s11+$0x0], $0xffff  }
0x91: {  	v17 =	vadd.s32 $0xAE, v2;
	[tilespmem:s9+$0x80] =	vst v19;
	v18 =	vld.idx.msk [tilespmem:v12+s11+$0x0], $0xffff  }
0x92: {  	s5 =	sadd.s32 $0x10, s4;
	v19 =	vld.idx.msk [tilespmem:v20+s11+$0x0], $0xffff;
	v20 =	vadd.s32 $0x1ED, v3  }
0x93: {  	v12 =	vld [tilespmem:s5+$0x0];
	[tilespmem:s30+$0x180] =	vst v14;
	v14 =	vadd.s32 $0x122, v1  }
0x94: {  	s0 =	sadd.s32 s0, s25;
	[tilespmem:s7+$0x200] =	vst v15;
	v15 =	vld.idx.msk [tilespmem:v21+s11+$0x0], $0xffff;
	v21 =	vadd.s32 $0x57, v4  }
0x95: {  	s1 =	sadd.s32 s1, s0;
	[tilespmem:s8+$0x280] =	vst v16;
	v16 =	vld.idx.msk [tilespmem:v22+s11+$0x0], $0xffff;
	v22 =	vadd.s32 $0x261, v11  }
0x96: {  	v23 =	vadd.s32 $0x196, v0;
	v17 =	vld.idx.msk [tilespmem:v17+s11+$0x0], $0xffff;
	[tilespmem:s1+$0x0] =	vst v5  }
0x97: {  	v24 =	vadd.s32 $0xCB, v2;
	[tilespmem:s31+$0x80] =	vst v18;
	v18 =	vld.idx.msk [tilespmem:v20+s11+$0x0], $0xffff  }
0x98: {  	v5 =	vadd.s32 v6, v10;
	[tilespmem:s9+$0x100] =	vst v19;
	v14 =	vld.idx.msk [tilespmem:v14+s11+$0x0], $0xffff  }
0x99: {  	v20 =	vadd.s32 $0x20A, v3;
	v19 =	vld.idx.msk [tilespmem:v21+s11+$0x0], $0xffff;
	[tilespmem:s30+$0x200] =	vst v15  }
0x9a: {  	v15 =	vadd.s32 $0x13F, v1;
	[tilespmem:s7+$0x280] =	vst v16;
	v16 =	vld.idx.msk [tilespmem:v22+s11+$0x0], $0xffff  }
0x9b: {  	v21 =	vadd.s32 $0x74, v4;
	[tilespmem:s8+$0x300] =	vst v17;
	v17 =	vld.idx.msk [tilespmem:v23+s11+$0x0], $0xffff  }
0x9c: {  	v60 =	vadd.s32 $0x27E, v11;
	v8 =	vand.u32 $0x7, v8;
	v23 =	vand.u32 $0xFFFFFFF8, v2;
	v22 =	vld.idx.msk [tilespmem:v24+s11+$0x0], $0xffff;
	[tilespmem:s1+$0x80] =	vst v18  }
0x9d: {  	v25 =	vld.idx.msk [tilespmem:v5+s11+$0x0], $0xffff;
	v8 =	vor.u32 v8, v23;
	v23 =	vadd.s32 $0x1B3, v0;
	[tilespmem:s31+$0x100] =	vst v14  }
0x9e: {  	s10 =	simm.s32 $0x300;
	v18 =	vadd.s32 $0xE8, v8;
	v14 =	vld.idx.msk [tilespmem:v20+s11+$0x0], $0xffff;
	[tilespmem:s9+$0x180] =	vst v19  }
0x9f: {  	s2 =	sand.u32 $0xC00, s10;
	s10 =	simm.s32 $0x60;
	v20 =	vadd.s32 $0x1D, v5;
	v15 =	vld.idx.msk [tilespmem:v15+s11+$0x0], $0xffff;
	[tilespmem:s30+$0x280] =	vst v16  }
0xa0: {  	s0 =	sand.u32 $0x70, s10;
	s14 =	sadd.s32 s2, s18;
	v19 =	vld.idx.msk [tilespmem:v21+s11+$0x0], $0xffff;
	v21 =	vadd.s32 $0x227, v3;
	[tilespmem:s7+$0x300] =	vst v17  }
0xa1: {  	s4 =	sadd.s32 s0, s14;
	v16 =	vadd.s32 $0x15C, v1;
	v17 =	vld.idx.msk [tilespmem:v60+s11+$0x0], $0xffff;
	[tilespmem:s8+$0x380] =	vst v22  }
0xa2: {  	v61 =	vadd.s32 $0x91, v4;
	v22 =	vld.idx.msk [tilespmem:v23+s11+$0x0], $0xffff;
	[tilespmem:s4+$0x0] =	vst v25  }
0xa3: {  	v11 =	vadd.s32 $0x29B, v11;
	v18 =	vld.idx.msk [tilespmem:v18+s11+$0x0], $0xffff;
	[tilespmem:s1+$0x100] =	vst v14  }
0xa4: {  	v13 =	vadd.s32 $0x1D0, v13;
	v20 =	vld.idx.msk [tilespmem:v20+s11+$0x0], $0xffff;
	[tilespmem:s31+$0x180] =	vst v15  }
0xa5: {  	v23 =	vadd.s32 $0x105, v2;
	v15 =	vld.idx.msk [tilespmem:v21+s11+$0x0], $0xffff;
	[tilespmem:s9+$0x200] =	vst v19  }
0xa6: {  	s15 =	sadd.s32 s23, s26;
	v21 =	vadd.s32 $0x3A, v5;
	v62 =	vld.idx.msk [tilespmem:v16+s11+$0x0], $0xffff;
	[tilespmem:s30+$0x300] =	vst v17  }
0xa7: {  	v63 =	vadd.s32 $0x244, v3;
	s8 =	sadd.s32 s24, s15;
	v19 =	vld.idx.msk [tilespmem:v61+s11+$0x0], $0xffff;
	[tilespmem:s7+$0x380] =	vst v22  }
0xa8: {  	v16 =	vadd.s32 $0x179, v1;
	v14 =	vld.idx.msk [tilespmem:v11+s11+$0x0], $0xffff;
	[tilespmem:s8+$0x0] =	vst v18  }
0xa9: {  	v11 =	vld.idx.msk [tilespmem:v13+s11+$0x0], $0xffff;
	[tilespmem:s4+$0x80] =	vst v20;
	v20 =	vadd.s32 $0xAE, v4  }
0xaa: {  	v17 =	vld.idx.msk [tilespmem:v23+s11+$0x0], $0xffff  }
0xab: {  	v13 =	vadd.s32 $0x1ED, v0;
	v21 =	vld.idx.msk [tilespmem:v21+s11+$0x0], $0xffff;
	[tilespmem:s1+$0x180] =	vst v15  }
0xac: {  	s14 =	simm.s32 $0x400;
	s7 =	simm.s32 $0x380;
	v18 =	vadd.s32 $0x122, v2;
	[tilespmem:s31+$0x200] =	vst v62;
	v15 =	vld.idx.msk [tilespmem:v63+s11+$0x0], $0xffff  }
.LBB2_3:
0xad: {  	p0 =	sne.s32 s14, $0xF80;
	v22 =	vadd.s32 $0x57, v5;
	[tilespmem:s9+$0x280] =	vst v19;
	v16 =	vld.idx.msk [tilespmem:v16+s11+$0x0], $0xffff;
	s15 =	sadd.s32 s19, s25;
	s19 =	smov.u32 s22  }
0xae: {  	s5 =	sadd.s32 $0x10, s5;
	v19 =	vld.idx.msk [tilespmem:v20+s11+$0x0], $0xffff;
	v20 =	vadd.s32 $0x261, v3;
	[tilespmem:s30+$0x380] =	vst v14;
	s30 =	smov.u32 s1;
	s1 =	sadd.s32 s20, s15  }
0xaf: {  	v23 =	vadd.s32 $0x196, v1;
	s22 =	smov.u32 s23;
	s23 =	smov.u32 s28;
	s28 =	smov.u32 s2;
	v14 =	vld [tilespmem:s5+$0x0];
	[tilespmem:s1+$0x0] =	vst v11  }
0xb0: {  	s20 =	smov.u32 s21;
	s21 =	smov.u32 s24;
	s24 =	smov.u32 s29;
	v11 =	vadd.s32 $0xCB, v4;
	[tilespmem:s8+$0x80] =	vst v17;
	v13 =	vld.idx.msk [tilespmem:v13+s11+$0x0], $0xffff  }
0xb1: {  	s29 =	smov.u32 s0;
	v17 =	vadd.s32 v6, v12;
	[tilespmem:s4+$0x100] =	vst v21;
	v18 =	vld.idx.msk [tilespmem:v18+s11+$0x0], $0xffff  }
0xb2: {  	v21 =	vld.idx.msk [tilespmem:v22+s11+$0x0], $0xffff;
	v22 =	vadd.s32 $0x20A, v0;
	[tilespmem:s30+$0x200] =	vst v15  }
0xb3: {  	v15 =	vadd.s32 $0x13F, v2;
	[tilespmem:s31+$0x280] =	vst v16;
	v16 =	vld.idx.msk [tilespmem:v20+s11+$0x0], $0xffff  }
0xb4: {  	v20 =	vadd.s32 $0x74, v5;
	[tilespmem:s9+$0x300] =	vst v19;
	v19 =	vld.idx.msk [tilespmem:v23+s11+$0x0], $0xffff  }
0xb5: {  	v24 =	vand.u32 $0x7, v9;
	v25 =	vadd.s32 $0x27E, v3;
	v9 =	vmovc v10;
	v10 =	vmovc v12;
	v23 =	vand.u32 $0xFFFFFFF8, v4;
	v11 =	vld.idx.msk [tilespmem:v11+s11+$0x0], $0xffff  }
0xb6: {  	v12 =	vmov v14;
	v23 =	vor.u32 v24, v23;
	v24 =	vadd.s32 $0x1B3, v1;
	v26 =	vld.idx.msk [tilespmem:v17+s11+$0x0], $0xffff;
	[tilespmem:s1+$0x80] =	vst v13  }
0xb7: {  	v13 =	vadd.s32 $0xE8, v23;
	[tilespmem:s8+$0x100] =	vst v18;
	v14 =	vld.idx.msk [tilespmem:v22+s11+$0x0], $0xffff  }
0xb8: {  	v18 =	vadd.s32 $0x1D, v17;
	[tilespmem:s4+$0x180] =	vst v21;
	v15 =	vld.idx.msk [tilespmem:v15+s11+$0x0], $0xffff  }
0xb9: {  	s2 =	sand.u32 $0xC00, s7;
	s10 =	sadd.s32 $0x10, s10;
	s7 =	smov.u32 s14;
	v21 =	vadd.s32 $0x227, v0;
	v20 =	vld.idx.msk [tilespmem:v20+s11+$0x0], $0xffff;
	[tilespmem:s30+$0x280] =	vst v16  }
0xba: {  	s0 =	sand.u32 $0x70, s10;
	s15 =	sadd.s32 s2, s18;
	v16 =	vadd.s32 $0x15C, v2;
	[tilespmem:s31+$0x300] =	vst v19;
	v22 =	vld.idx.msk [tilespmem:v25+s11+$0x0], $0xffff  }
0xbb: {  	v19 =	vadd.s32 $0x91, v5;
	[tilespmem:s9+$0x380] =	vst v11;
	v11 =	vld.idx.msk [tilespmem:v24+s11+$0x0], $0xffff;
	s9 =	smov.u32 s4;
	s4 =	sadd.s32 s0, s15  }
0xbc: {  	v24 =	vadd.s32 $0x29B, v3;
	v3 =	vmovc v0;
	v0 =	vmovc v1;
	v1 =	vmov v2;
	v2 =	vmov v4;
	[tilespmem:s4+$0x0] =	vst v26;
	v13 =	vld.idx.msk [tilespmem:v13+s11+$0x0], $0xffff  }
0xbd: {  	v25 =	vadd.s32 $0x1D0, v7;
	v7 =	vmovc v8;
	v8 =	vmovc v23;
	v4 =	vmov v5;
	v5 =	vmov v17;
	v18 =	vld.idx.msk [tilespmem:v18+s11+$0x0], $0xffff;
	[tilespmem:s1+$0x100] =	vst v14  }
0xbe: {  	v17 =	vadd.s32 $0x105, v2;
	[tilespmem:s8+$0x180] =	vst v15;
	v15 =	vld.idx.msk [tilespmem:v21+s11+$0x0], $0xffff  }
0xbf: {  	v21 =	vadd.s32 $0x3A, v5;
	[tilespmem:s9+$0x200] =	vst v20;
	v23 =	vld.idx.msk [tilespmem:v16+s11+$0x0], $0xffff  }
0xc0: {  	s15 =	sadd.s32 s23, s26;
	v26 =	vadd.s32 $0x244, v3;
	v19 =	vld.idx.msk [tilespmem:v19+s11+$0x0], $0xffff;
	[tilespmem:s30+$0x300] =	vst v22  }
.Ltmp0:
0xc1: {  	v16 =	vadd.s32 $0x179, v1;
	[tilespmem:s31+$0x380] =	vst v11;
	v14 =	vld.idx.msk [tilespmem:v24+s11+$0x0], $0xffff;
	s31 =	smov.u32 s8;
	s8 =	sadd.s32 s24, s15;
	(pc) =	sbr.rel @p0 .LBB2_3-.Ltmp0, $4  }
0xc2: {  	v20 =	vadd.s32 $0xAE, v4;
	[tilespmem:s8+$0x0] =	vst v13;
	v11 =	vld.idx.msk [tilespmem:v25+s11+$0x0], $0xffff  }
0xc3: {  	[tilespmem:s4+$0x80] =	vst v18;
	v17 =	vld.idx.msk [tilespmem:v17+s11+$0x0], $0xffff  }
0xc4: {  	v13 =	vadd.s32 $0x1ED, v0;
	v21 =	vld.idx.msk [tilespmem:v21+s11+$0x0], $0xffff;
	[tilespmem:s1+$0x180] =	vst v15  }
0xc5: {  	s14 =	sadd.s32 $0x80, s14;
	v18 =	vadd.s32 $0x122, v2;
	[tilespmem:s31+$0x200] =	vst v23;
	v15 =	vld.idx.msk [tilespmem:v26+s11+$0x0], $0xffff  }
0xc6: {  	v6 =	vadd.s32 v6, v12;
	_ =	sdelay $0x4  }
0xc7: {  	v22 =	vld.idx.msk [tilespmem:v6+s11+$0x0], $0xffff  }
0xc8: {  	v23 =	vadd.s32 $0x1D, v6  }
0xc9: {  	s7 =	sand.u32 $0xC00, s7;
	s5 =	sadd.s32 $0x10, s10  }
0xca: {  	s5 =	sand.u32 $0x70, s5;
	s14 =	sadd.s32 s7, s18  }
0xcb: {  	s10 =	sadd.s32 s5, s14  }
0xcc: {  	[tilespmem:s10+$0x0] =	vst v22  }
0xcd: {  	v22 =	vld.idx.msk [tilespmem:v23+s11+$0x0], $0xffff  }
0xce: {  	v48 =	vadd.s32 $0x3A, v6;
	_ =	sdelay $0x2  }
0xcf: {  	v49 =	vadd.s32 $0x57, v5  }
0xd0: {  	[tilespmem:s10+$0x80] =	vst v22  }
0xd1: {  	v23 =	vld.idx.msk [tilespmem:v48+s11+$0x0], $0xffff  }
0xd2: {  	v24 =	vadd.s32 $0x57, v6  }
0xd3: {  	[tilespmem:s4+$0x100] =	vst v21  }
0xd4: {  	v21 =	vld.idx.msk [tilespmem:v49+s11+$0x0], $0xffff  }
0xd5: {  	v50 =	vadd.s32 $0x74, v5  }
0xd6: {  	[tilespmem:s10+$0x100] =	vst v23  }
0xd7: {  	v23 =	vld.idx.msk [tilespmem:v24+s11+$0x0], $0xffff  }
0xd8: {  	v51 =	vadd.s32 $0x74, v6  }
0xd9: {  	[tilespmem:s4+$0x180] =	vst v21  }
0xda: {  	v21 =	vld.idx.msk [tilespmem:v50+s11+$0x0], $0xffff  }
0xdb: {  	v52 =	vadd.s32 $0x91, v5  }
0xdc: {  	[tilespmem:s10+$0x180] =	vst v23  }
0xdd: {  	v23 =	vld.idx.msk [tilespmem:v51+s11+$0x0], $0xffff  }
0xde: {  	v53 =	vadd.s32 $0x91, v6  }
0xdf: {  	[tilespmem:s4+$0x200] =	vst v21  }
0xe0: {  	v21 =	vld.idx.msk [tilespmem:v52+s11+$0x0], $0xffff  }
0xe1: {  	v54 =	vadd.s32 $0xAE, v5  }
0xe2: {  	[tilespmem:s10+$0x200] =	vst v23  }
0xe3: {  	v23 =	vld.idx.msk [tilespmem:v53+s11+$0x0], $0xffff  }
0xe4: {  	v55 =	vadd.s32 $0xAE, v6  }
0xe5: {  	[tilespmem:s4+$0x280] =	vst v21  }
0xe6: {  	v21 =	vld.idx.msk [tilespmem:v54+s11+$0x0], $0xffff  }
0xe7: {  	[tilespmem:s9+$0x280] =	vst v19;
	v57 =	vadd.s32 $0xCB, v5  }
0xe8: {  	v19 =	vld.idx.msk [tilespmem:v20+s11+$0x0], $0xffff;
	[tilespmem:s10+$0x280] =	vst v23  }
0xe9: {  	v56 =	vadd.s32 $0xCB, v4;
	v23 =	vld.idx.msk [tilespmem:v55+s11+$0x0], $0xffff  }
0xea: {  	v58 =	vadd.s32 $0xCB, v6  }
0xeb: {  	v60 =	vand.u32 $0xFFFFFFF8, v5;
	v10 =	vand.u32 $0x7, v10;
	[tilespmem:s4+$0x300] =	vst v21  }
0xec: {  	v10 =	vor.u32 v10, v60;
	v22 =	vld.idx.msk [tilespmem:v57+s11+$0x0], $0xffff  }
0xed: {  	v25 =	vand.u32 $0xFFFFFFF8, v4;
	v9 =	vand.u32 $0x7, v9;
	v63 =	vadd.s32 $0xE8, v10;
	[tilespmem:s9+$0x300] =	vst v19  }
0xee: {  	v62 =	vand.u32 $0x7, v12;
	v9 =	vor.u32 v9, v25;
	v61 =	vand.u32 $0xFFFFFFF8, v6;
	v19 =	vld.idx.msk [tilespmem:v56+s11+$0x0], $0xffff;
	[tilespmem:s10+$0x300] =	vst v23  }
0xef: {  	v59 =	vadd.s32 $0xE8, v9;
	v12 =	vor.u32 v62, v61;
	v24 =	vld.idx.msk [tilespmem:v58+s11+$0x0], $0xffff  }
0xf0: {  	v21 =	vadd.s32 $0xE8, v12  }
0xf1: {  	[tilespmem:s4+$0x380] =	vst v22  }
0xf2: {  	v22 =	vld.idx.msk [tilespmem:v63+s11+$0x0], $0xffff  }
0xf3: {  	v29 =	vadd.s32 $0x105, v5;
	[tilespmem:s9+$0x380] =	vst v19  }
0xf4: {  	v19 =	vld.idx.msk [tilespmem:v59+s11+$0x0], $0xffff;
	[tilespmem:s10+$0x380] =	vst v24  }
0xf5: {  	v28 =	vadd.s32 $0x105, v4;
	s9 =	sadd.s32 s2, s26;
	v21 =	vld.idx.msk [tilespmem:v21+s11+$0x0], $0xffff  }
0xf6: {  	v30 =	vadd.s32 $0x105, v6;
	s14 =	sadd.s32 s0, s9  }
0xf7: {  	s15 =	sadd.s32 s28, s26;
	[tilespmem:s14+$0x0] =	vst v22  }
0xf8: {  	v22 =	vld.idx.msk [tilespmem:v29+s11+$0x0], $0xffff;
	s10 =	sadd.s32 s29, s15;
	s15 =	sadd.s32 s7, s26  }
0xf9: {  	v32 =	vadd.s32 $0x122, v5;
	[tilespmem:s10+$0x0] =	vst v19;
	s4 =	sadd.s32 s5, s15  }
0xfa: {  	v19 =	vld.idx.msk [tilespmem:v28+s11+$0x0], $0xffff;
	[tilespmem:s4+$0x0] =	vst v21  }
0xfb: {  	v31 =	vadd.s32 $0x122, v4;
	v33 =	vld.idx.msk [tilespmem:v30+s11+$0x0], $0xffff  }
0xfc: {  	v34 =	vadd.s32 $0x122, v6;
	[tilespmem:s8+$0x80] =	vst v17  }
0xfd: {  	v17 =	vld.idx.msk [tilespmem:v18+s11+$0x0], $0xffff;
	[tilespmem:s14+$0x80] =	vst v22  }
0xfe: {  	v35 =	vadd.s32 $0x13F, v2;
	v21 =	vld.idx.msk [tilespmem:v32+s11+$0x0], $0xffff  }
0xff: {  	v37 =	vadd.s32 $0x13F, v5;
	[tilespmem:s10+$0x80] =	vst v19  }
0x100: {  	v19 =	vld.idx.msk [tilespmem:v31+s11+$0x0], $0xffff;
	[tilespmem:s4+$0x80] =	vst v33  }
0x101: {  	v36 =	vadd.s32 $0x13F, v4;
	v23 =	vld.idx.msk [tilespmem:v34+s11+$0x0], $0xffff  }
0x102: {  	v38 =	vadd.s32 $0x13F, v6;
	[tilespmem:s8+$0x100] =	vst v17  }
0x103: {  	v17 =	vld.idx.msk [tilespmem:v35+s11+$0x0], $0xffff;
	[tilespmem:s14+$0x100] =	vst v21  }
0x104: {  	v39 =	vadd.s32 $0x15C, v2;
	v21 =	vld.idx.msk [tilespmem:v37+s11+$0x0], $0xffff  }
0x105: {  	v41 =	vadd.s32 $0x15C, v5;
	[tilespmem:s10+$0x100] =	vst v19  }
0x106: {  	v19 =	vld.idx.msk [tilespmem:v36+s11+$0x0], $0xffff;
	[tilespmem:s4+$0x100] =	vst v23  }
0x107: {  	v40 =	vadd.s32 $0x15C, v4;
	v23 =	vld.idx.msk [tilespmem:v38+s11+$0x0], $0xffff  }
0x108: {  	v42 =	vadd.s32 $0x15C, v6;
	[tilespmem:s8+$0x180] =	vst v17  }
0x109: {  	v18 =	vld.idx.msk [tilespmem:v39+s11+$0x0], $0xffff;
	[tilespmem:s14+$0x180] =	vst v21  }
0x10a: {  	v44 =	vadd.s32 $0x179, v2;
	v22 =	vld.idx.msk [tilespmem:v41+s11+$0x0], $0xffff  }
0x10b: {  	v46 =	vadd.s32 $0x179, v5;
	[tilespmem:s10+$0x180] =	vst v19  }
0x10c: {  	v43 =	vadd.s32 $0x261, v3;
	v20 =	vld.idx.msk [tilespmem:v40+s11+$0x0], $0xffff;
	[tilespmem:s4+$0x180] =	vst v23  }
0x10d: {  	v45 =	vadd.s32 $0x179, v4;
	[tilespmem:s30+$0x380] =	vst v14;
	v23 =	vld.idx.msk [tilespmem:v42+s11+$0x0], $0xffff  }
0x10e: {  	v16 =	vld.idx.msk [tilespmem:v16+s11+$0x0], $0xffff;
	v47 =	vadd.s32 $0x179, v6;
	[tilespmem:s8+$0x200] =	vst v18  }
0x10f: {  	v48 =	vadd.s32 $0x196, v1;
	v19 =	vld.idx.msk [tilespmem:v44+s11+$0x0], $0xffff;
	[tilespmem:s14+$0x200] =	vst v22  }
0x110: {  	[tilespmem:s1+$0x200] =	vst v15;
	v50 =	vadd.s32 $0x196, v2;
	v14 =	vld.idx.msk [tilespmem:v46+s11+$0x0], $0xffff  }
0x111: {  	v17 =	vld.idx.msk [tilespmem:v43+s11+$0x0], $0xffff;
	v52 =	vadd.s32 $0x196, v5;
	[tilespmem:s10+$0x200] =	vst v20  }
0x112: {  	v49 =	vadd.s32 $0x27E, v3;
	v21 =	vld.idx.msk [tilespmem:v45+s11+$0x0], $0xffff;
	[tilespmem:s4+$0x200] =	vst v23  }
0x113: {  	[tilespmem:s31+$0x280] =	vst v16;
	v51 =	vadd.s32 $0x196, v4;
	v15 =	vld.idx.msk [tilespmem:v47+s11+$0x0], $0xffff  }
0x114: {  	v18 =	vld.idx.msk [tilespmem:v48+s11+$0x0], $0xffff;
	v53 =	vadd.s32 $0x196, v6;
	[tilespmem:s8+$0x280] =	vst v19  }
0x115: {  	v54 =	vadd.s32 $0x1B3, v1;
	v22 =	vld.idx.msk [tilespmem:v50+s11+$0x0], $0xffff;
	[tilespmem:s14+$0x280] =	vst v14  }
0x116: {  	v56 =	vadd.s32 $0x1B3, v2;
	[tilespmem:s1+$0x280] =	vst v17;
	v16 =	vld.idx.msk [tilespmem:v52+s11+$0x0], $0xffff  }
0x117: {  	v58 =	vadd.s32 $0x1B3, v5;
	v20 =	vld.idx.msk [tilespmem:v49+s11+$0x0], $0xffff;
	[tilespmem:s10+$0x280] =	vst v21  }
0x118: {  	v55 =	vadd.s32 $0x29B, v3;
	v23 =	vld.idx.msk [tilespmem:v51+s11+$0x0], $0xffff;
	[tilespmem:s4+$0x280] =	vst v15  }
0x119: {  	[tilespmem:s31+$0x300] =	vst v18;
	v57 =	vadd.s32 $0x1B3, v4;
	v17 =	vld.idx.msk [tilespmem:v53+s11+$0x0], $0xffff  }
0x11a: {  	v59 =	vadd.s32 $0x1B3, v6;
	v18 =	vld.idx.msk [tilespmem:v54+s11+$0x0], $0xffff;
	[tilespmem:s8+$0x300] =	vst v22  }
0x11b: {  	v60 =	vld.idx.msk [tilespmem:v56+s11+$0x0], $0xffff;
	[tilespmem:s14+$0x300] =	vst v16  }
0x11c: {  	v8 =	vadd.s32 $0x1D0, v8;
	[tilespmem:s1+$0x300] =	vst v20;
	v15 =	vld.idx.msk [tilespmem:v58+s11+$0x0], $0xffff  }
0x11d: {  	v10 =	vadd.s32 $0x1D0, v10;
	v3 =	vld.idx.msk [tilespmem:v55+s11+$0x0], $0xffff;
	[tilespmem:s10+$0x300] =	vst v23  }
0x11e: {  	v7 =	vadd.s32 $0x1D0, v7;
	v14 =	vld.idx.msk [tilespmem:v57+s11+$0x0], $0xffff;
	[tilespmem:s4+$0x300] =	vst v17  }
0x11f: {  	v9 =	vadd.s32 $0x1D0, v9;
	[tilespmem:s31+$0x380] =	vst v18;
	v61 =	vld.idx.msk [tilespmem:v59+s11+$0x0], $0xffff  }
0x120: {  	v62 =	vadd.s32 $0x1D0, v12;
	[tilespmem:s8+$0x380] =	vst v60  }
0x121: {  	v8 =	vld.idx.msk [tilespmem:v8+s11+$0x0], $0xffff;
	[tilespmem:s14+$0x380] =	vst v15  }
0x122: {  	v20 =	vadd.s32 $0x1ED, v2;
	[tilespmem:s1+$0x380] =	vst v3;
	v10 =	vld.idx.msk [tilespmem:v10+s11+$0x0], $0xffff  }
0x123: {  	s19 =	sadd.s32 s19, s25;
	v7 =	vld.idx.msk [tilespmem:v7+s11+$0x0], $0xffff;
	v22 =	vadd.s32 $0x1ED, v5;
	[tilespmem:s10+$0x380] =	vst v14  }
0x124: {  	s23 =	sadd.s32 s23, s25;
	v63 =	vadd.s32 $0x1ED, v1;
	s1 =	sadd.s32 s20, s19;
	v9 =	vld.idx.msk [tilespmem:v9+s11+$0x0], $0xffff;
	[tilespmem:s4+$0x380] =	vst v61  }
0x125: {  	s26 =	sadd.s32 s2, s25;
	v21 =	vadd.s32 $0x1ED, v4;
	s8 =	sadd.s32 s24, s23;
	[tilespmem:s1+$0x0] =	vst v11;
	v3 =	vld.idx.msk [tilespmem:v62+s11+$0x0], $0xffff  }
0x126: {  	s22 =	sadd.s32 s22, s25;
	s24 =	sadd.s32 s28, s25;
	s28 =	sadd.s32 s0, s26;
	v23 =	vadd.s32 $0x1ED, v6;
	v13 =	vld.idx.msk [tilespmem:v13+s11+$0x0], $0xffff;
	[tilespmem:s8+$0x0] =	vst v8  }
0x127: {  	v24 =	vadd.s32 $0x20A, v0;
	v14 =	vld.idx.msk [tilespmem:v20+s11+$0x0], $0xffff;
	[tilespmem:s28+$0x0] =	vst v10;
	s4 =	sadd.s32 s21, s22  }
0x128: {  	v26 =	vadd.s32 $0x20A, v2;
	s9 =	sadd.s32 s29, s24;
	s29 =	sadd.s32 s7, s25;
	v11 =	vld.idx.msk [tilespmem:v22+s11+$0x0], $0xffff;
	[tilespmem:s4+$0x0] =	vst v7  }
0x129: {  	v28 =	vadd.s32 $0x20A, v5;
	s2 =	sadd.s32 s5, s29;
	[tilespmem:s9+$0x0] =	vst v9;
	v12 =	vld.idx.msk [tilespmem:v63+s11+$0x0], $0xffff  }
0x12a: {  	v25 =	vadd.s32 $0x20A, v1;
	v15 =	vld.idx.msk [tilespmem:v21+s11+$0x0], $0xffff;
	[tilespmem:s2+$0x0] =	vst v3  }
0x12b: {  	v27 =	vadd.s32 $0x20A, v4;
	[tilespmem:s1+$0x80] =	vst v13;
	v7 =	vld.idx.msk [tilespmem:v23+s11+$0x0], $0xffff  }
0x12c: {  	v29 =	vadd.s32 $0x20A, v6;
	v13 =	vld.idx.msk [tilespmem:v24+s11+$0x0], $0xffff;
	[tilespmem:s8+$0x80] =	vst v14  }
0x12d: {  	v30 =	vadd.s32 $0x227, v0;
	v9 =	vld.idx.msk [tilespmem:v26+s11+$0x0], $0xffff;
	[tilespmem:s28+$0x80] =	vst v11  }
0x12e: {  	v32 =	vadd.s32 $0x227, v2;
	v3 =	vld.idx.msk [tilespmem:v28+s11+$0x0], $0xffff;
	[tilespmem:s4+$0x80] =	vst v12  }
0x12f: {  	v34 =	vadd.s32 $0x227, v5;
	[tilespmem:s9+$0x80] =	vst v15;
	v8 =	vld.idx.msk [tilespmem:v25+s11+$0x0], $0xffff  }
0x130: {  	v31 =	vadd.s32 $0x227, v1;
	v10 =	vld.idx.msk [tilespmem:v27+s11+$0x0], $0xffff;
	[tilespmem:s2+$0x80] =	vst v7  }
0x131: {  	v33 =	vadd.s32 $0x227, v4;
	[tilespmem:s1+$0x100] =	vst v13;
	v12 =	vld.idx.msk [tilespmem:v29+s11+$0x0], $0xffff  }
0x132: {  	v35 =	vadd.s32 $0x227, v6;
	v13 =	vld.idx.msk [tilespmem:v30+s11+$0x0], $0xffff;
	[tilespmem:s8+$0x100] =	vst v9  }
0x133: {  	v36 =	vadd.s32 $0x244, v0;
	v15 =	vld.idx.msk [tilespmem:v32+s11+$0x0], $0xffff;
	[tilespmem:s28+$0x100] =	vst v3  }
0x134: {  	v38 =	vadd.s32 $0x244, v2;
	v7 =	vld.idx.msk [tilespmem:v34+s11+$0x0], $0xffff;
	[tilespmem:s4+$0x100] =	vst v8  }
0x135: {  	v40 =	vadd.s32 $0x244, v5;
	[tilespmem:s9+$0x100] =	vst v10;
	v14 =	vld.idx.msk [tilespmem:v31+s11+$0x0], $0xffff  }
0x136: {  	v37 =	vadd.s32 $0x244, v1;
	v11 =	vld.idx.msk [tilespmem:v33+s11+$0x0], $0xffff;
	[tilespmem:s2+$0x100] =	vst v12  }
0x137: {  	v39 =	vadd.s32 $0x244, v4;
	[tilespmem:s1+$0x180] =	vst v13;
	v8 =	vld.idx.msk [tilespmem:v35+s11+$0x0], $0xffff  }
0x138: {  	v41 =	vadd.s32 $0x244, v6;
	v13 =	vld.idx.msk [tilespmem:v36+s11+$0x0], $0xffff;
	[tilespmem:s8+$0x180] =	vst v15  }
0x139: {  	v42 =	vadd.s32 $0x261, v0;
	v10 =	vld.idx.msk [tilespmem:v38+s11+$0x0], $0xffff;
	[tilespmem:s28+$0x180] =	vst v7  }
0x13a: {  	v44 =	vadd.s32 $0x261, v2;
	v12 =	vld.idx.msk [tilespmem:v40+s11+$0x0], $0xffff;
	[tilespmem:s4+$0x180] =	vst v14  }
0x13b: {  	v46 =	vadd.s32 $0x261, v5;
	[tilespmem:s9+$0x180] =	vst v11;
	v9 =	vld.idx.msk [tilespmem:v37+s11+$0x0], $0xffff  }
0x13c: {  	v43 =	vadd.s32 $0x261, v1;
	v3 =	vld.idx.msk [tilespmem:v39+s11+$0x0], $0xffff;
	[tilespmem:s2+$0x180] =	vst v8  }
0x13d: {  	v45 =	vadd.s32 $0x261, v4;
	[tilespmem:s1+$0x200] =	vst v13;
	v47 =	vld.idx.msk [tilespmem:v41+s11+$0x0], $0xffff  }
0x13e: {  	v49 =	vadd.s32 $0x261, v6;
	v48 =	vld.idx.msk [tilespmem:v42+s11+$0x0], $0xffff;
	[tilespmem:s8+$0x200] =	vst v10  }
0x13f: {  	v50 =	vadd.s32 $0x27E, v0;
	v11 =	vld.idx.msk [tilespmem:v44+s11+$0x0], $0xffff;
	[tilespmem:s28+$0x200] =	vst v12  }
0x140: {  	v52 =	vadd.s32 $0x27E, v2;
	v8 =	vld.idx.msk [tilespmem:v46+s11+$0x0], $0xffff;
	[tilespmem:s4+$0x200] =	vst v9  }
0x141: {  	v54 =	vadd.s32 $0x27E, v5;
	[tilespmem:s9+$0x200] =	vst v3;
	v15 =	vld.idx.msk [tilespmem:v43+s11+$0x0], $0xffff  }
0x142: {  	v51 =	vadd.s32 $0x27E, v1;
	v7 =	vld.idx.msk [tilespmem:v45+s11+$0x0], $0xffff;
	[tilespmem:s2+$0x200] =	vst v47  }
0x143: {  	v53 =	vadd.s32 $0x27E, v4;
	[tilespmem:s1+$0x280] =	vst v48;
	v9 =	vld.idx.msk [tilespmem:v49+s11+$0x0], $0xffff  }
0x144: {  	v55 =	vadd.s32 $0x27E, v6;
	v14 =	vld.idx.msk [tilespmem:v50+s11+$0x0], $0xffff;
	[tilespmem:s8+$0x280] =	vst v11  }
0x145: {  	v56 =	vadd.s32 $0x29B, v0;
	v3 =	vld.idx.msk [tilespmem:v52+s11+$0x0], $0xffff;
	[tilespmem:s28+$0x280] =	vst v8  }
0x146: {  	v58 =	vadd.s32 $0x29B, v2;
	v8 =	vld.idx.msk [tilespmem:v54+s11+$0x0], $0xffff;
	[tilespmem:s4+$0x280] =	vst v15  }
0x147: {  	v60 =	vadd.s32 $0x29B, v5;
	[tilespmem:s9+$0x280] =	vst v7;
	v10 =	vld.idx.msk [tilespmem:v51+s11+$0x0], $0xffff  }
0x148: {  	v57 =	vadd.s32 $0x29B, v1;
	v7 =	vld.idx.msk [tilespmem:v53+s11+$0x0], $0xffff;
	[tilespmem:s2+$0x280] =	vst v9  }
0x149: {  	v59 =	vadd.s32 $0x29B, v4;
	[tilespmem:s1+$0x300] =	vst v14;
	v9 =	vld.idx.msk [tilespmem:v55+s11+$0x0], $0xffff  }
0x14a: {  	v6 =	vadd.s32 $0x29B, v6;
	v0 =	vld.idx.msk [tilespmem:v56+s11+$0x0], $0xffff;
	[tilespmem:s8+$0x300] =	vst v3  }
0x14b: {  	v2 =	vld.idx.msk [tilespmem:v58+s11+$0x0], $0xffff;
	[tilespmem:s28+$0x300] =	vst v8  }
0x14c: {  	v62 =	vld.idx.msk [tilespmem:v60+s11+$0x0], $0xffff;
	[tilespmem:s4+$0x300] =	vst v10  }
0x14d: {  	[tilespmem:s9+$0x300] =	vst v7;
	v1 =	vld.idx.msk [tilespmem:v57+s11+$0x0], $0xffff  }
0x14e: {  	v61 =	vld.idx.msk [tilespmem:v59+s11+$0x0], $0xffff;
	[tilespmem:s2+$0x300] =	vst v9  }
0x14f: {  	s30 =	smul.u32 $0x60000, s17;
	s17 =	sadd.s32 $0x1, s17;
	[tilespmem:s1+$0x380] =	vst v0;
	v63 =	vld.idx.msk [tilespmem:v6+s11+$0x0], $0xffff  }
0x150: {  	p0 =	sne.s32 s17, $0xC;
	[tilespmem:s8+$0x380] =	vst v2  }
.Ltmp1:
0x151: {  	[tilespmem:s28+$0x380] =	vst v62;
	(pc) =	sbr.rel @p0 .LBB2_2-.Ltmp1, $4  }
0x152: {  	s1 =	sor.u32 s6, s30;
	[tilespmem:s4+$0x380] =	vst v1  }
0x153: {  	s31 =	sshrl.u32 s1, $0x3;
	[tilespmem:s9+$0x380] =	vst v61  }
0x154: {  	s16 =	sadd.s32 $0x200, s16;
	s0 =	sadd.s32 s3, s31;
	[tilespmem:s2+$0x380] =	vst v63  }
0x155: {  	[hbm4b:s0+s12] =	stream.strided.scatter [tilespmem:s18], [sflag:$0x1], $0x3000, s13, s12, $0x38;
	[tilespmem:$0x98A0] =	vst v63  }
0x156: {  	s1 =	simm.s32 $0x1  }
0x157: {  	_ =	swait.ge [sflag:s1], $0x3000  }
0x158: {  	[sflag:s1] =	ssyncset.done $0x0  }
0x159: {  	[sflag:s1] =	ssyncadd.s32 $0xFFFFD000  }
0x15a: {  	_ =	swait.ge [sflag:s1], $0x3000  }
0x15b: {  	s2 =	rddreg [dreg:$0x6]  }
0x15c: {  	s0 =	rddreg [dreg:$0x5];
	s2 =	sadd.s32 $0x1, s2  }
0x15d: {  	p0 =	sne.s32 s2, s0  }
.Ltmp2:
0x15e: {  	_ = 	snop;
	(pc) =	sbr.rel @p0 .LBB2_1-.Ltmp2, $3  }
0x15f: {  	_ =	sdelay $0x1  }
0x160: {  	[sflag:s1] =	ssyncset.done $0x0  }
0x161: {  	[sflag:s1] =	ssyncadd.s32 $0xFFFFD000  }
0x162: {  	_ =	sfence.sel $0x180000  }
0x163: {  	[bflag:$0x0] =	sbarrier.arrive $0xFFFF  }
0x164: {  	_ =	strace $0x90000047  }
0x165: {  	s0 =	stileid.u32;
	[bflag:$0x2] =	sbarrier.arrive $0xFFFF  }
0x166: {  	p0 =	sne.s32 s0, $0x0;
	s0 =	rddreg [dreg:$0x3]  }
0x167: {  	s0 =	sadd.s32 @!p0 $0x100000, s0  }
0x168: {  	[sflag:s0] =	ssyncadd.tile.s32 @!p0 $0x1;
	_ =	shalt  }
.Lfunc_end2:
_tile_overlayer_lowered:
.L_overlay_start_2:
0x169: {  	(tag) =	ssettag $0x2  }
0x16a: {  	s0 =	rddreg [dreg:$0x0];
	s2 =	stileid.u32  }
0x16b: {  	s1 =	rddreg [dreg:$0x1];
	p0 =	sne.s32 s2, $0x0  }
0x16c: {  	s3 =	rddreg [dreg:$0x2];
	[bflag:$0x3] =	sbarrier.arrive $0xFFFF;
	s2 =	simm.s32 @!p0 $0x1C02  }
0x16d: {  	[timem:s3], [sflag:s2] =	dma.local @!p0 [hbm:s0], s1  }
0x16e: {  	s0 =	simm.s32 @!p0 $0x2  }
0x16f: {  	_ =	swait.ge @!p0 [sflag:s0], s1  }
0x170: {  	s1 =	ssub.s32 @!p0 $0x0, s1;
	[sflag:s0] =	ssyncset.done @!p0 $0x0  }
0x171: {  	[sflag:s0] =	ssyncadd.s32 @!p0 s1  }
0x172: {  	[bflag:$0x3] =	sbarrier.arrive $0xFFFF  }
0x173: {  	_ =	shalt  }

</sc_bundles>
